<compile_context>
chip_gen: v7x
topology: tpu7x:2x2x1
jax: 0.10.2.dev20260603
libtpu: 0.0.44.dev20260713+nightly
codegen_flags: <defaults>
</compile_context>

<pallas_src>
import functools

import jax
import jax.numpy as jnp
from jax import lax
from jax.experimental import pallas as pl
from jax.experimental.pallas import tpu as pltpu
from jax.experimental.pallas import tpu_sc as plsc

N = 10000
NPAD = 10000
E = 320000
F_DIM = 128
H_DIM = 64
DEC_H = 128

NC = 2
NS = 16
NW = NC * NS
CHUNK = 128
NCHUNKS = E // CHUNK
CPW = NCHUNKS // NW
CPW_MAX = CPW + 1
EXTRA = NCHUNKS - CPW * NW


def _seg_sum_sc(d, with_counts):
    rows_per_sub = NPAD // NS

    mesh = plsc.VectorSubcoreMesh(
        core_axis_name="c", subcore_axis_name="s",
        num_cores=NC, num_subcores=NS)

    out_type = [jax.ShapeDtypeStruct((NC, NPAD, d), jnp.float32)]
    scratch = [
        pltpu.VMEM((CHUNK,), jnp.int32),
        pltpu.VMEM((CHUNK,), jnp.int32),
        pltpu.VMEM((CHUNK,), jnp.int32),
        pltpu.VMEM((CHUNK,), jnp.int32),
        pltpu.VMEM((CHUNK, d), jnp.float32),
        pltpu.VMEM((CHUNK, d), jnp.float32),
        pltpu.VMEM_SHARED((NPAD, d), jnp.float32),
        pltpu.SemaphoreType.DMA,
        pltpu.SemaphoreType.DMA,
        pltpu.SemaphoreType.DMA,
        pltpu.SemaphoreType.DMA,
        pltpu.SemaphoreType.DMA,
        pltpu.SemaphoreType.DMA,
    ]
    if with_counts:
        out_type.append(jax.ShapeDtypeStruct((NC, NPAD, 16), jnp.float32))
        scratch += [
            pltpu.VMEM((CHUNK, 16), jnp.float32),
            pltpu.VMEM_SHARED((NPAD, 16), jnp.float32),
        ]

    @functools.partial(
        pl.kernel,
        out_type=out_type,
        mesh=mesh,
        scratch_types=scratch,
        compiler_params=pltpu.CompilerParams(use_tc_tiling_on_sc=False),
    )
    def seg_sum(table_hbm, src_hbm, dst_hbm, zeros_hbm, *rest):
        if with_counts:
            (ones_hbm, out_hbm, cnt_hbm,
             si0, si1, di0, di1, buf0, buf1, acc_sh,
             ss0, ss1, ds0, ds1, gs0, gs1, ones_v, cnt_sh) = rest
        else:
            (out_hbm,
             si0, si1, di0, di1, buf0, buf1, acc_sh,
             ss0, ss1, ds0, ds1, gs0, gs1) = rest
        c = lax.axis_index("c")
        s = lax.axis_index("s")
        w = c * NS + s
        row0 = s * rows_per_sub
        start = w * CPW + jnp.minimum(w, EXTRA)
        n_i = CPW + jnp.where(w < EXTRA, 1, 0)

        sidx = (si0, si1)
        didx = (di0, di1)
        bufs = (buf0, buf1)
        ssem = (ss0, ss1)
        dsem = (ds0, ds1)
        gsem = (gs0, gs1)

        pltpu.async_copy(src_hbm.at[start], si0, ss0)
        pltpu.async_copy(dst_hbm.at[start], di0, ds0)
        pltpu.async_copy(src_hbm.at[start + 1], si1, ss1)
        pltpu.async_copy(dst_hbm.at[start + 1], di1, ds1)
        pltpu.sync_copy(zeros_hbm, acc_sh.at[pl.ds(row0, rows_per_sub)])
        if with_counts:
            pltpu.sync_copy(ones_hbm.at[pl.ds(0, CHUNK)], ones_v)
            pltpu.sync_copy(ones_hbm.at[pl.ds(CHUNK, rows_per_sub)],
                            cnt_sh.at[pl.ds(row0, rows_per_sub)])
        plsc.subcore_barrier()
        pltpu.make_async_copy(src_hbm.at[start], si0, ss0).wait()
        pltpu.async_copy(table_hbm.at[si0], buf0, gs0)

        def step(k, b):
            b1 = 1 - b
            kk = start + k

            @pl.when(k + 1 < n_i)
            def _():
                pltpu.make_async_copy(
                    src_hbm.at[kk + 1], sidx[b1], ssem[b1]).wait()
                pltpu.async_copy(table_hbm.at[sidx[b1]], bufs[b1], gsem[b1])

            @pl.when(k < n_i)
            def _():
                pltpu.make_async_copy(
                    table_hbm.at[sidx[b]], bufs[b], gsem[b]).wait()
                pltpu.make_async_copy(dst_hbm.at[kk], didx[b], dsem[b]).wait()
                pltpu.sync_copy(bufs[b], acc_sh.at[didx[b]], add=True)
                if with_counts:
                    pltpu.sync_copy(ones_v, cnt_sh.at[didx[b]], add=True)

                @pl.when(k + 2 < n_i)
                def _():
                    pltpu.async_copy(src_hbm.at[kk + 2], sidx[b], ssem[b])
                    pltpu.async_copy(dst_hbm.at[kk + 2], didx[b], dsem[b])

        def body(g, _):
            step(2 * g, 0)
            step(2 * g + 1, 1)
            return 0

        lax.fori_loop(0, CPW_MAX // 2 + 1, body, 0)
        plsc.subcore_barrier()
        pltpu.sync_copy(acc_sh.at[pl.ds(row0, rows_per_sub)],
                        out_hbm.at[c, pl.ds(row0, rows_per_sub)])
        if with_counts:
            pltpu.sync_copy(cnt_sh.at[pl.ds(row0, rows_per_sub)],
                            cnt_hbm.at[c, pl.ds(row0, rows_per_sub)])

    return seg_sum


_seg_sum_x = _seg_sum_sc(F_DIM, True)
_seg_sum_h = _seg_sum_sc(H_DIM, False)


def _hp(a, b):
    return jnp.dot(a, b, preferred_element_type=jnp.float32,
                   precision=lax.Precision.DEFAULT)


def _rowsum_t(v):
    return lax.dot_general(jnp.ones((1, v.shape[1]), jnp.float32), v,
                           dimension_numbers=(((1,), (1,)), ((), ())),
                           preferred_element_type=jnp.float32,
                           precision=lax.Precision.HIGHEST)


def _enc_body(p_ref, c_ref, x_ref, w_ref, b_ref, m_ref, h_ref, ic_ref):
    inv = 1.0 / (c_ref[0] + c_ref[1] + 1.0)
    m = (p_ref[0] + p_ref[1] + x_ref[...]) * inv
    m_ref[...] = m
    h_ref[...] = jnp.maximum(_hp(m, w_ref[...]) + b_ref[...], 0.0)
    ic_ref[...] = inv


def _deca_body(h_ref, x_ref, wx1_ref, bx1_ref, wx2_ref, bx2_ref, attr_ref):
    x_hat = _hp(jnp.maximum(_hp(h_ref[...], wx1_ref[...]) + bx1_ref[...],
                            0.0), wx2_ref[...]) + bx2_ref[...]
    d = x_hat - x_ref[...]
    attr_ref[pl.ds(pl.program_id(0), 1), :] = jnp.sqrt(
        _rowsum_t(d * d) + 1e-12)


def _decb_body(s2_ref, h_ref, x_ref, m_ref, ic_ref, attr_ref,
               wh1_ref, bh1_ref, wh2_ref, bh2_ref,
               score_ref, attr_o_ref, neigh_ref):
    h_bar = (s2_ref[0] + s2_ref[1] + h_ref[...]) * ic_ref[...]
    m_hat = _hp(jnp.maximum(_hp(h_bar, wh1_ref[...]) + bh1_ref[...], 0.0),
                wh2_ref[...]) + bh2_ref[...]
    x = x_ref[...]
    i = pl.ds(pl.program_id(0), 1)
    attr = attr_ref[i, :]
    dn = m_hat - m_ref[...]
    dh = m_hat - x
    neigh = jnp.sqrt(_rowsum_t(dn * dn) + 1e-12)
    homo = jnp.sqrt(_rowsum_t(dh * dh) + 1e-12)
    score_ref[i, :] = attr + neigh + 0.5 * homo
    attr_o_ref[i, :] = attr
    neigh_ref[i, :] = neigh


_ROWS = 2000


def kernel(x, edge_index, edge_weight, W_enc, b_enc,
           Wx1, bx1, Wx2, bx2, Wh1, bh1, Wh2, bh2):
    del edge_weight
    src = edge_index[0].reshape(NCHUNKS, CHUNK)
    dst = edge_index[1].reshape(NCHUNKS, CHUNK)

    ones0 = jnp.concatenate(
        [jnp.ones((CHUNK, 16), jnp.float32),
         jnp.zeros((NPAD // NS, 16), jnp.float32)], axis=0)
    p1, cnts = _seg_sum_x(x, src, dst,
                          jnp.zeros((NPAD // NS, F_DIM), jnp.float32), ones0)
    cnt_col = cnts[:, :, 0:1]

    grid = N // _ROWS
    m, h, inv_cnt = pl.pallas_call(
        _enc_body,
        grid=(grid,),
        in_specs=[
            pl.BlockSpec((NC, _ROWS, F_DIM), lambda i: (0, i, 0)),
            pl.BlockSpec((NC, _ROWS, 1), lambda i: (0, i, 0)),
            pl.BlockSpec((_ROWS, F_DIM), lambda i: (i, 0)),
            pl.BlockSpec((F_DIM, H_DIM), lambda i: (0, 0)),
            pl.BlockSpec((1, H_DIM), lambda i: (0, 0)),
        ],
        out_specs=[
            pl.BlockSpec((_ROWS, F_DIM), lambda i: (i, 0)),
            pl.BlockSpec((_ROWS, H_DIM), lambda i: (i, 0)),
            pl.BlockSpec((_ROWS, 1), lambda i: (i, 0)),
        ],
        out_shape=[
            jax.ShapeDtypeStruct((N, F_DIM), jnp.float32),
            jax.ShapeDtypeStruct((N, H_DIM), jnp.float32),
            jax.ShapeDtypeStruct((N, 1), jnp.float32),
        ],
    )(p1, cnt_col, x, W_enc, b_enc.reshape(1, H_DIM))

    [p2] = _seg_sum_h(h, src, dst,
                      jnp.zeros((NPAD // NS, H_DIM), jnp.float32))

    attr1 = pl.pallas_call(
        _deca_body,
        grid=(grid,),
        in_specs=[
            pl.BlockSpec((_ROWS, H_DIM), lambda i: (i, 0)),
            pl.BlockSpec((_ROWS, F_DIM), lambda i: (i, 0)),
            pl.BlockSpec((H_DIM, DEC_H), lambda i: (0, 0)),
            pl.BlockSpec((1, DEC_H), lambda i: (0, 0)),
            pl.BlockSpec((DEC_H, F_DIM), lambda i: (0, 0)),
            pl.BlockSpec((1, F_DIM), lambda i: (0, 0)),
        ],
        out_specs=pl.BlockSpec((N // _ROWS, _ROWS), lambda i: (0, 0)),
        out_shape=jax.ShapeDtypeStruct((N // _ROWS, _ROWS), jnp.float32),
    )(h, x, Wx1, bx1.reshape(1, DEC_H), Wx2, bx2.reshape(1, F_DIM))

    score, attr_err, neigh_err = pl.pallas_call(
        _decb_body,
        grid=(grid,),
        in_specs=[
            pl.BlockSpec((NC, _ROWS, H_DIM), lambda i: (0, i, 0)),
            pl.BlockSpec((_ROWS, H_DIM), lambda i: (i, 0)),
            pl.BlockSpec((_ROWS, F_DIM), lambda i: (i, 0)),
            pl.BlockSpec((_ROWS, F_DIM), lambda i: (i, 0)),
            pl.BlockSpec((_ROWS, 1), lambda i: (i, 0)),
            pl.BlockSpec((N // _ROWS, _ROWS), lambda i: (0, 0)),
            pl.BlockSpec((H_DIM, DEC_H), lambda i: (0, 0)),
            pl.BlockSpec((1, DEC_H), lambda i: (0, 0)),
            pl.BlockSpec((DEC_H, F_DIM), lambda i: (0, 0)),
            pl.BlockSpec((1, F_DIM), lambda i: (0, 0)),
        ],
        out_specs=[
            pl.BlockSpec((N // _ROWS, _ROWS), lambda i: (0, 0)),
            pl.BlockSpec((N // _ROWS, _ROWS), lambda i: (0, 0)),
            pl.BlockSpec((N // _ROWS, _ROWS), lambda i: (0, 0)),
        ],
        out_shape=[
            jax.ShapeDtypeStruct((N // _ROWS, _ROWS), jnp.float32),
            jax.ShapeDtypeStruct((N // _ROWS, _ROWS), jnp.float32),
            jax.ShapeDtypeStruct((N // _ROWS, _ROWS), jnp.float32),
        ],
    )(p2, h, x, m, inv_cnt, attr1,
      Wh1, bh1.reshape(1, DEC_H), Wh2, bh2.reshape(1, F_DIM))

    return (score.reshape(N), attr_err.reshape(N), neigh_err.reshape(N))

# --- scband reference (transcript-rebuilt; emitter-appended) ---
"""Pipeline reference for scband-consistency-detector-21835613733616 (READ-ONLY COPY).

The authoritative reference and input builder live on the scoring server;
editing this copy changes nothing except your own understanding.
"""

import jax, jax.numpy as jnp
import numpy as np

N = 10000
E = 320000
F_DIM = 128
H_DIM = 64
DEC_H = 128


def neighbor_mean(feat, src, dst, num_nodes):
    s = jax.ops.segment_sum(feat[src], dst, num_segments=num_nodes)
    cnt = jax.ops.segment_sum(jnp.ones((src.shape[0], 1), feat.dtype), dst, num_segments=num_nodes)
    return s / jnp.maximum(cnt, 1.0)


def setup_inputs(seed: int = 0) -> dict:
    key = jax.random.key(seed)
    ks = jax.random.split(key, 12)
    x = jax.random.normal(ks[0], (N, F_DIM), dtype=jnp.float32)
    edge_index = jax.random.randint(ks[1], (2, E), 0, N, dtype=jnp.int32)
    edge_weight = jax.random.uniform(ks[2], (E,), dtype=jnp.float32)

    def init(k, shape):
        return jax.random.normal(k, shape, dtype=jnp.float32) * 0.05

    W_enc = init(ks[3], (F_DIM, H_DIM)); b_enc = jnp.zeros((H_DIM,), jnp.float32)
    Wx1 = init(ks[4], (H_DIM, DEC_H)); bx1 = jnp.zeros((DEC_H,), jnp.float32)
    Wx2 = init(ks[5], (DEC_H, F_DIM)); bx2 = jnp.zeros((F_DIM,), jnp.float32)
    Wh1 = init(ks[6], (H_DIM, DEC_H)); bh1 = jnp.zeros((DEC_H,), jnp.float32)
    Wh2 = init(ks[7], (DEC_H, F_DIM)); bh2 = jnp.zeros((F_DIM,), jnp.float32)
    return {"x": x, "edge_index": edge_index, "edge_weight": edge_weight,
            "W_enc": W_enc, "b_enc": b_enc,
            "Wx1": Wx1, "bx1": bx1, "Wx2": Wx2, "bx2": bx2,
            "Wh1": Wh1, "bh1": bh1, "Wh2": Wh2, "bh2": bh2}


def reference(x, edge_index, edge_weight, W_enc, b_enc, Wx1, bx1, Wx2, bx2, Wh1, bh1, Wh2, bh2):
    n = x.shape[0]
    # add_self_loops (add_selfloop_for_mean=True)
    loop = jnp.arange(n, dtype=edge_index.dtype)
    ei = jnp.concatenate([edge_index, jnp.stack([loop, loop])], axis=1)
    src, dst = ei[0], ei[1]
    # GCN encoder get_h: one mean-aggregation GCN layer -> h [N, nhid]
    h = jax.nn.relu(neighbor_mean(x @ W_enc, src, dst, n) + b_enc)
    # dec_x (MLPDecoder, dropout=0, no sigmoid)
    x_hat = jax.nn.relu(h @ Wx1 + bx1) @ Wx2 + bx2
    # neighbor mean of hidden, then dec_homo
    h_bar = neighbor_mean(h, src, dst, n)
    m_hat = jax.nn.relu(h_bar @ Wh1 + bh1) @ Wh2 + bh2
    # target neighbor mean of raw features
    m = neighbor_mean(x, src, dst, n)
    attr_err = jnp.sqrt(jnp.sum((x_hat - x) ** 2, axis=1) + 1e-12)
    neigh_err = jnp.sqrt(jnp.sum((m_hat - m) ** 2, axis=1) + 1e-12)
    homo_err = jnp.sqrt(jnp.sum((m_hat - x) ** 2, axis=1) + 1e-12)
    # score = c*attr + a*neigh + b*homo with a=1.0, b=0.5, c=1.0
    score = 1.0 * attr_err + 1.0 * neigh_err + 0.5 * homo_err
    return (score, attr_err, neigh_err)

if __name__ == "__main__":
    import jax
    _d = setup_inputs()
    print(jax.jit(kernel)(*tuple(_d.values())))

</pallas_src>

<mosaic_0001>
#map = affine_map<(d0, d1) -> (0, 0)>
#map1 = affine_map<(d0, d1) -> (0, 0, 0)>
module attributes {stable_mosaic.version = 14 : i64} {
  func.func @seg_sum(%arg0: i32, %arg1: i32, %arg2: memref<10000x128xf32, #tpu.memory_space<hbm>>, %arg3: memref<2500x128xi32, #tpu.memory_space<hbm>>, %arg4: memref<2500x128xi32, #tpu.memory_space<hbm>>, %arg5: memref<625x128xf32, #tpu.memory_space<hbm>>, %arg6: memref<753x16xf32, #tpu.memory_space<hbm>>, %arg7: memref<2x10000x128xf32, #tpu.memory_space<hbm>>, %arg8: memref<2x10000x16xf32, #tpu.memory_space<hbm>>, %arg9: memref<128xi32, #tpu.memory_space<vmem>>, %arg10: memref<128xi32, #tpu.memory_space<vmem>>, %arg11: memref<128xi32, #tpu.memory_space<vmem>>, %arg12: memref<128xi32, #tpu.memory_space<vmem>>, %arg13: memref<128x128xf32, #tpu.memory_space<vmem>>, %arg14: memref<128x128xf32, #tpu.memory_space<vmem>>, %arg15: memref<10000x128xf32, #tpu.memory_space<vmem_shared>>, %arg16: memref<!tpu.dma_semaphore, #tpu.memory_space<semaphore_mem>>, %arg17: memref<!tpu.dma_semaphore, #tpu.memory_space<semaphore_mem>>, %arg18: memref<!tpu.dma_semaphore, #tpu.memory_space<semaphore_mem>>, %arg19: memref<!tpu.dma_semaphore, #tpu.memory_space<semaphore_mem>>, %arg20: memref<!tpu.dma_semaphore, #tpu.memory_space<semaphore_mem>>, %arg21: memref<!tpu.dma_semaphore, #tpu.memory_space<semaphore_mem>>, %arg22: memref<128x16xf32, #tpu.memory_space<vmem>>, %arg23: memref<10000x16xf32, #tpu.memory_space<vmem_shared>>) attributes {dimension_semantics = [#tpu.dimension_semantics<core_parallel>, #tpu.dimension_semantics<subcore_parallel>], iteration_bounds = array<i64: 2, 16>, scalar_prefetch = 0 : i64, scratch_operands = 15 : i64, tpu.core_type = #tpu.core_type<sc_vector_subcore>, window_params = [{transform_indices = #map}, {transform_indices = #map}, {transform_indices = #map}, {transform_indices = #map}, {transform_indices = #map}, {transform_indices = #map1}, {transform_indices = #map1}]} {
    %mul3A = arith.constant 16 : i32
    %mul3A_0 = arith.muli %arg0, %mul3A : i32
    %add3A = arith.addi %mul3A_0, %arg1 : i32
    %mul3A_1 = arith.constant 625 : i32
    %mul3A_2 = arith.muli %arg1, %mul3A_1 : i32
    %mul3A_3 = arith.constant 78 : i32
    %mul3A_4 = arith.muli %add3A, %mul3A_3 : i32
    %min3A = arith.constant 4 : i32
    %min3A_5 = arith.minsi %add3A, %min3A : i32
    %add3A_6 = arith.addi %mul3A_4, %min3A_5 : i32
    %lt3A = arith.constant 4 : i32
    %lt3A_7 = arith.cmpi slt, %add3A, %lt3A : i32
    %jit3A = arith.constant 1 : i32
    %jit3A_8 = arith.constant 0 : i32
    %select_n3A = arith.select %lt3A_7, %jit3A, %jit3A_8 : i32
    %add3A_9 = arith.constant 78 : i32
    %add3A_10 = arith.addi %add3A_9, %select_n3A : i32
    %dma_start3A = arith.constant 0 : i32
    %dma_start3A_11 = tpu.memref_slice %arg3[%add3A_6, %dma_start3A] : memref<2500x128xi32, #tpu.memory_space<hbm>> -> memref<1x128xi32, #tpu.memory_space<hbm>>
    %dma_start3A_12 = tpu.memref_squeeze %dma_start3A_11 : memref<1x128xi32, #tpu.memory_space<hbm>> -> memref<128xi32, #tpu.memory_space<hbm>>
    %dma_start3A_13 = arith.constant 0 : i32
    %dma_start3A_14 = tpu.memref_slice %arg3[%add3A_6, %dma_start3A_13] : memref<2500x128xi32, #tpu.memory_space<hbm>> -> memref<1x128xi32, #tpu.memory_space<hbm>>
    %dma_start3A_15 = tpu.memref_squeeze %dma_start3A_14 : memref<1x128xi32, #tpu.memory_space<hbm>> -> memref<128xi32, #tpu.memory_space<hbm>>
    tpu.enqueue_dma source(%dma_start3A_15 : memref<128xi32, #tpu.memory_space<hbm>>) target(%arg9 : memref<128xi32, #tpu.memory_space<vmem>>) target_semaphore(%arg16 : memref<!tpu.dma_semaphore, #tpu.memory_space<semaphore_mem>>)
    %dma_start3A_16 = arith.constant 0 : i32
    %dma_start3A_17 = tpu.memref_slice %arg4[%add3A_6, %dma_start3A_16] : memref<2500x128xi32, #tpu.memory_space<hbm>> -> memref<1x128xi32, #tpu.memory_space<hbm>>
    %dma_start3A_18 = tpu.memref_squeeze %dma_start3A_17 : memref<1x128xi32, #tpu.memory_space<hbm>> -> memref<128xi32, #tpu.memory_space<hbm>>
    %dma_start3A_19 = arith.constant 0 : i32
    %dma_start3A_20 = tpu.memref_slice %arg4[%add3A_6, %dma_start3A_19] : memref<2500x128xi32, #tpu.memory_space<hbm>> -> memref<1x128xi32, #tpu.memory_space<hbm>>
    %dma_start3A_21 = tpu.memref_squeeze %dma_start3A_20 : memref<1x128xi32, #tpu.memory_space<hbm>> -> memref<128xi32, #tpu.memory_space<hbm>>
    tpu.enqueue_dma source(%dma_start3A_21 : memref<128xi32, #tpu.memory_space<hbm>>) target(%arg11 : memref<128xi32, #tpu.memory_space<vmem>>) target_semaphore(%arg18 : memref<!tpu.dma_semaphore, #tpu.memory_space<semaphore_mem>>)
    %add3A_22 = arith.constant 1 : i32
    %add3A_23 = arith.addi %add3A_6, %add3A_22 : i32
    %dma_start3A_24 = arith.constant 0 : i32
    %dma_start3A_25 = tpu.memref_slice %arg3[%add3A_23, %dma_start3A_24] : memref<2500x128xi32, #tpu.memory_space<hbm>> -> memref<1x128xi32, #tpu.memory_space<hbm>>
    %dma_start3A_26 = tpu.memref_squeeze %dma_start3A_25 : memref<1x128xi32, #tpu.memory_space<hbm>> -> memref<128xi32, #tpu.memory_space<hbm>>
    %dma_start3A_27 = arith.constant 0 : i32
    %dma_start3A_28 = tpu.memref_slice %arg3[%add3A_23, %dma_start3A_27] : memref<2500x128xi32, #tpu.memory_space<hbm>> -> memref<1x128xi32, #tpu.memory_space<hbm>>
    %dma_start3A_29 = tpu.memref_squeeze %dma_start3A_28 : memref<1x128xi32, #tpu.memory_space<hbm>> -> memref<128xi32, #tpu.memory_space<hbm>>
    tpu.enqueue_dma source(%dma_start3A_29 : memref<128xi32, #tpu.memory_space<hbm>>) target(%arg10 : memref<128xi32, #tpu.memory_space<vmem>>) target_semaphore(%arg17 : memref<!tpu.dma_semaphore, #tpu.memory_space<semaphore_mem>>)
    %add3A_30 = arith.constant 1 : i32
    %add3A_31 = arith.addi %add3A_6, %add3A_30 : i32
    %dma_start3A_32 = arith.constant 0 : i32
    %dma_start3A_33 = tpu.memref_slice %arg4[%add3A_31, %dma_start3A_32] : memref<2500x128xi32, #tpu.memory_space<hbm>> -> memref<1x128xi32, #tpu.memory_space<hbm>>
    %dma_start3A_34 = tpu.memref_squeeze %dma_start3A_33 : memref<1x128xi32, #tpu.memory_space<hbm>> -> memref<128xi32, #tpu.memory_space<hbm>>
    %dma_start3A_35 = arith.constant 0 : i32
    %dma_start3A_36 = tpu.memref_slice %arg4[%add3A_31, %dma_start3A_35] : memref<2500x128xi32, #tpu.memory_space<hbm>> -> memref<1x128xi32, #tpu.memory_space<hbm>>
    %dma_start3A_37 = tpu.memref_squeeze %dma_start3A_36 : memref<1x128xi32, #tpu.memory_space<hbm>> -> memref<128xi32, #tpu.memory_space<hbm>>
    tpu.enqueue_dma source(%dma_start3A_37 : memref<128xi32, #tpu.memory_space<hbm>>) target(%arg12 : memref<128xi32, #tpu.memory_space<vmem>>) target_semaphore(%arg19 : memref<!tpu.dma_semaphore, #tpu.memory_space<semaphore_mem>>)
    "tpu.region"() ({
      %run_scoped3A = tpu.sem_alloc : memref<!tpu.dma_semaphore, #tpu.memory_space<semaphore_mem>>
      %dma_start3A_53 = arith.constant 0 : i32
      %dma_start3A_54 = tpu.memref_slice %arg15[%mul3A_2, %dma_start3A_53] : memref<10000x128xf32, #tpu.memory_space<vmem_shared>> -> memref<625x128xf32, #tpu.memory_space<vmem_shared>>
      tpu.enqueue_dma source(%arg5 : memref<625x128xf32, #tpu.memory_space<hbm>>) target(%dma_start3A_54 : memref<625x128xf32, #tpu.memory_space<vmem_shared>>) target_semaphore(%run_scoped3A : memref<!tpu.dma_semaphore, #tpu.memory_space<semaphore_mem>>)
      %dma_wait3A_55 = arith.constant 0 : i32
      %dma_wait3A_56 = tpu.memref_slice %arg15[%mul3A_2, %dma_wait3A_55] : memref<10000x128xf32, #tpu.memory_space<vmem_shared>> -> memref<625x128xf32, #tpu.memory_space<vmem_shared>>
      tpu.wait_dma2 semaphore(%run_scoped3A : memref<!tpu.dma_semaphore, #tpu.memory_space<semaphore_mem>>) src(%arg5 : memref<625x128xf32, #tpu.memory_space<hbm>>) dst(%dma_wait3A_56 : memref<625x128xf32, #tpu.memory_space<vmem_shared>>)
      tpu.yield
    }) : () -> ()
    "tpu.region"() ({
      %run_scoped3A = tpu.sem_alloc : memref<!tpu.dma_semaphore, #tpu.memory_space<semaphore_mem>>
      %dma_start3A_53 = arith.constant 0 : i32
      %dma_start3A_54 = arith.constant 0 : i32
      %dma_start3A_55 = tpu.memref_slice %arg6[%dma_start3A_53, %dma_start3A_54] : memref<753x16xf32, #tpu.memory_space<hbm>> -> memref<128x16xf32, #tpu.memory_space<hbm>>
      %dma_start3A_56 = arith.constant 0 : i32
      %dma_start3A_57 = arith.constant 0 : i32
      %dma_start3A_58 = tpu.memref_slice %arg6[%dma_start3A_56, %dma_start3A_57] : memref<753x16xf32, #tpu.memory_space<hbm>> -> memref<128x16xf32, #tpu.memory_space<hbm>>
      tpu.enqueue_dma source(%dma_start3A_58 : memref<128x16xf32, #tpu.memory_space<hbm>>) target(%arg22 : memref<128x16xf32, #tpu.memory_space<vmem>>) target_semaphore(%run_scoped3A : memref<!tpu.dma_semaphore, #tpu.memory_space<semaphore_mem>>)
      %dma_wait3A_59 = arith.constant 0 : i32
      %dma_wait3A_60 = arith.constant 0 : i32
      %dma_wait3A_61 = tpu.memref_slice %arg6[%dma_wait3A_59, %dma_wait3A_60] : memref<753x16xf32, #tpu.memory_space<hbm>> -> memref<128x16xf32, #tpu.memory_space<hbm>>
      %dma_wait3A_62 = arith.constant 0 : i32
      %dma_wait3A_63 = arith.constant 0 : i32
      %dma_wait3A_64 = tpu.memref_slice %arg6[%dma_wait3A_62, %dma_wait3A_63] : memref<753x16xf32, #tpu.memory_space<hbm>> -> memref<128x16xf32, #tpu.memory_space<hbm>>
      tpu.wait_dma2 semaphore(%run_scoped3A : memref<!tpu.dma_semaphore, #tpu.memory_space<semaphore_mem>>) src(%dma_wait3A_64 : memref<128x16xf32, #tpu.memory_space<hbm>>) dst(%arg22 : memref<128x16xf32, #tpu.memory_space<vmem>>)
      tpu.yield
    }) : () -> ()
    "tpu.region"() ({
      %run_scoped3A = tpu.sem_alloc : memref<!tpu.dma_semaphore, #tpu.memory_space<semaphore_mem>>
      %dma_start3A_53 = arith.constant 0 : i32
      %dma_start3A_54 = tpu.memref_slice %arg23[%mul3A_2, %dma_start3A_53] : memref<10000x16xf32, #tpu.memory_space<vmem_shared>> -> memref<625x16xf32, #tpu.memory_space<vmem_shared>>
      %dma_start3A_55 = arith.constant 128 : i32
      %dma_start3A_56 = arith.constant 0 : i32
      %dma_start3A_57 = tpu.memref_slice %arg6[%dma_start3A_55, %dma_start3A_56] : memref<753x16xf32, #tpu.memory_space<hbm>> -> memref<625x16xf32, #tpu.memory_space<hbm>>
      tpu.enqueue_dma source(%dma_start3A_57 : memref<625x16xf32, #tpu.memory_space<hbm>>) target(%dma_start3A_54 : memref<625x16xf32, #tpu.memory_space<vmem_shared>>) target_semaphore(%run_scoped3A : memref<!tpu.dma_semaphore, #tpu.memory_space<semaphore_mem>>)
      %dma_wait3A_58 = arith.constant 0 : i32
      %dma_wait3A_59 = tpu.memref_slice %arg23[%mul3A_2, %dma_wait3A_58] : memref<10000x16xf32, #tpu.memory_space<vmem_shared>> -> memref<625x16xf32, #tpu.memory_space<vmem_shared>>
      %dma_wait3A_60 = arith.constant 128 : i32
      %dma_wait3A_61 = arith.constant 0 : i32
      %dma_wait3A_62 = tpu.memref_slice %arg6[%dma_wait3A_60, %dma_wait3A_61] : memref<753x16xf32, #tpu.memory_space<hbm>> -> memref<625x16xf32, #tpu.memory_space<hbm>>
      tpu.wait_dma2 semaphore(%run_scoped3A : memref<!tpu.dma_semaphore, #tpu.memory_space<semaphore_mem>>) src(%dma_wait3A_62 : memref<625x16xf32, #tpu.memory_space<hbm>>) dst(%dma_wait3A_59 : memref<625x16xf32, #tpu.memory_space<vmem_shared>>)
      tpu.yield
    }) : () -> ()
    %barrier3A = arith.constant 0 : index
    tpu.barrier barrier_id(%barrier3A)
    %dma_wait3A = arith.constant 0 : i32
    %dma_wait3A_38 = tpu.memref_slice %arg3[%add3A_6, %dma_wait3A] : memref<2500x128xi32, #tpu.memory_space<hbm>> -> memref<1x128xi32, #tpu.memory_space<hbm>>
    %dma_wait3A_39 = tpu.memref_squeeze %dma_wait3A_38 : memref<1x128xi32, #tpu.memory_space<hbm>> -> memref<128xi32, #tpu.memory_space<hbm>>
    %dma_wait3A_40 = arith.constant 0 : i32
    %dma_wait3A_41 = tpu.memref_slice %arg3[%add3A_6, %dma_wait3A_40] : memref<2500x128xi32, #tpu.memory_space<hbm>> -> memref<1x128xi32, #tpu.memory_space<hbm>>
    %dma_wait3A_42 = tpu.memref_squeeze %dma_wait3A_41 : memref<1x128xi32, #tpu.memory_space<hbm>> -> memref<128xi32, #tpu.memory_space<hbm>>
    tpu.wait_dma2 semaphore(%arg16 : memref<!tpu.dma_semaphore, #tpu.memory_space<semaphore_mem>>) src(%dma_wait3A_42 : memref<128xi32, #tpu.memory_space<hbm>>) dst(%arg9 : memref<128xi32, #tpu.memory_space<vmem>>)
    %dma_start3A_43 = arith.constant 0 : i32
    %dma_start3A_44 = arith.constant 0 : i32
    %dma_start3A_45 = tpu.memref_slice %arg2[%dma_start3A_43, %dma_start3A_44] : memref<10000x128xf32, #tpu.memory_space<hbm>> -> memref<10000x128xf32, #tpu.memory_space<hbm>>
    tpu.enqueue_indirect_dma source(%dma_start3A_45 : memref<10000x128xf32, #tpu.memory_space<hbm>>) target(%arg13 : memref<128x128xf32, #tpu.memory_space<vmem>>) offsets(%arg9 : memref<128xi32, #tpu.memory_space<vmem>>) semaphore(%arg20 : memref<!tpu.dma_semaphore, #tpu.memory_space<semaphore_mem>>)
    %scan3A = arith.constant 0 : i32
    %scan3A_46 = arith.constant 0 : i32
    %scan3A_47 = arith.constant 40 : i32
    %scan3A_48 = arith.addi %scan3A_46, %scan3A_47 : i32
    %scan3A_49 = arith.constant 1 : i32
    %scan3A_50 = scf.for %scan3A_53 = %scan3A_46 to %scan3A_48 step %scan3A_49 iter_args(%scan3A_54 = %scan3A) -> (i32)  : i32 {
      %mul3A_55 = arith.constant 2 : i32
      %mul3A_56 = arith.muli %mul3A_55, %scan3A_53 : i32
      %add3A_57 = arith.addi %add3A_6, %mul3A_56 : i32
      %add3A_58 = arith.constant 1 : i32
      %add3A_59 = arith.addi %mul3A_56, %add3A_58 : i32
      %lt3A_60 = arith.cmpi slt, %add3A_59, %add3A_10 : i32
      %convert_element_type3A = arith.extui %lt3A_60 : i1 to i32
      %cond3A = arith.constant 0 : i32
      %cond3A_61 = arith.cmpi ne, %convert_element_type3A, %cond3A : i32
      scf.if %cond3A_61 {
        %add3A_82 = arith.constant 1 : i32
        %add3A_83 = arith.addi %add3A_57, %add3A_82 : i32
        %dma_wait3A_84 = arith.constant 0 : i32
        %dma_wait3A_85 = tpu.memref_slice %arg3[%add3A_83, %dma_wait3A_84] : memref<2500x128xi32, #tpu.memory_space<hbm>> -> memref<1x128xi32, #tpu.memory_space<hbm>>
        %dma_wait3A_86 = tpu.memref_squeeze %dma_wait3A_85 : memref<1x128xi32, #tpu.memory_space<hbm>> -> memref<128xi32, #tpu.memory_space<hbm>>
        %dma_wait3A_87 = arith.constant 0 : i32
        %dma_wait3A_88 = tpu.memref_slice %arg3[%add3A_83, %dma_wait3A_87] : memref<2500x128xi32, #tpu.memory_space<hbm>> -> memref<1x128xi32, #tpu.memory_space<hbm>>
        %dma_wait3A_89 = tpu.memref_squeeze %dma_wait3A_88 : memref<1x128xi32, #tpu.memory_space<hbm>> -> memref<128xi32, #tpu.memory_space<hbm>>
        tpu.wait_dma2 semaphore(%arg17 : memref<!tpu.dma_semaphore, #tpu.memory_space<semaphore_mem>>) src(%dma_wait3A_89 : memref<128xi32, #tpu.memory_space<hbm>>) dst(%arg10 : memref<128xi32, #tpu.memory_space<vmem>>)
        %dma_start3A_90 = arith.constant 0 : i32
        %dma_start3A_91 = arith.constant 0 : i32
        %dma_start3A_92 = tpu.memref_slice %arg2[%dma_start3A_90, %dma_start3A_91] : memref<10000x128xf32, #tpu.memory_space<hbm>> -> memref<10000x128xf32, #tpu.memory_space<hbm>>
        tpu.enqueue_indirect_dma source(%dma_start3A_92 : memref<10000x128xf32, #tpu.memory_space<hbm>>) target(%arg14 : memref<128x128xf32, #tpu.memory_space<vmem>>) offsets(%arg10 : memref<128xi32, #tpu.memory_space<vmem>>) semaphore(%arg21 : memref<!tpu.dma_semaphore, #tpu.memory_space<semaphore_mem>>)
      } else {
      }
      %lt3A_62 = arith.cmpi slt, %mul3A_56, %add3A_10 : i32
      %convert_element_type3A_63 = arith.extui %lt3A_62 : i1 to i32
      %cond3A_64 = arith.constant 0 : i32
      %cond3A_65 = arith.cmpi ne, %convert_element_type3A_63, %cond3A_64 : i32
      scf.if %cond3A_65 {
        %dma_wait3A_82 = arith.constant 0 : i32
        %dma_wait3A_83 = arith.constant 0 : i32
        %dma_wait3A_84 = tpu.memref_slice %arg2[%dma_wait3A_82, %dma_wait3A_83] : memref<10000x128xf32, #tpu.memory_space<hbm>> -> memref<10000x128xf32, #tpu.memory_space<hbm>>
        tpu.wait_indirect_dma semaphore(%arg20 : memref<!tpu.dma_semaphore, #tpu.memory_space<semaphore_mem>>) src(%dma_wait3A_84 : memref<10000x128xf32, #tpu.memory_space<hbm>>) dst(%arg13 : memref<128x128xf32, #tpu.memory_space<vmem>>)
        %dma_wait3A_85 = arith.constant 0 : i32
        %dma_wait3A_86 = tpu.memref_slice %arg4[%add3A_57, %dma_wait3A_85] : memref<2500x128xi32, #tpu.memory_space<hbm>> -> memref<1x128xi32, #tpu.memory_space<hbm>>
        %dma_wait3A_87 = tpu.memref_squeeze %dma_wait3A_86 : memref<1x128xi32, #tpu.memory_space<hbm>> -> memref<128xi32, #tpu.memory_space<hbm>>
        %dma_wait3A_88 = arith.constant 0 : i32
        %dma_wait3A_89 = tpu.memref_slice %arg4[%add3A_57, %dma_wait3A_88] : memref<2500x128xi32, #tpu.memory_space<hbm>> -> memref<1x128xi32, #tpu.memory_space<hbm>>
        %dma_wait3A_90 = tpu.memref_squeeze %dma_wait3A_89 : memref<1x128xi32, #tpu.memory_space<hbm>> -> memref<128xi32, #tpu.memory_space<hbm>>
        tpu.wait_dma2 semaphore(%arg18 : memref<!tpu.dma_semaphore, #tpu.memory_space<semaphore_mem>>) src(%dma_wait3A_90 : memref<128xi32, #tpu.memory_space<hbm>>) dst(%arg11 : memref<128xi32, #tpu.memory_space<vmem>>)
        "tpu.region"() ({
          %run_scoped3A = tpu.sem_alloc : memref<!tpu.dma_semaphore, #tpu.memory_space<semaphore_mem>>
          %dma_start3A_97 = arith.constant 0 : i32
          %dma_start3A_98 = arith.constant 0 : i32
          %dma_start3A_99 = tpu.memref_slice %arg15[%dma_start3A_97, %dma_start3A_98] : memref<10000x128xf32, #tpu.memory_space<vmem_shared>> -> memref<10000x128xf32, #tpu.memory_space<vmem_shared>>
          tpu.enqueue_indirect_dma source(%arg13 : memref<128x128xf32, #tpu.memory_space<vmem>>) target(%dma_start3A_99 : memref<10000x128xf32, #tpu.memory_space<vmem_shared>>) offsets(%arg11 : memref<128xi32, #tpu.memory_space<vmem>>) semaphore(%run_scoped3A : memref<!tpu.dma_semaphore, #tpu.memory_space<semaphore_mem>>) {add = true}
          %dma_wait3A_100 = arith.constant 0 : i32
          %dma_wait3A_101 = arith.constant 0 : i32
          %dma_wait3A_102 = tpu.memref_slice %arg15[%dma_wait3A_100, %dma_wait3A_101] : memref<10000x128xf32, #tpu.memory_space<vmem_shared>> -> memref<10000x128xf32, #tpu.memory_space<vmem_shared>>
          tpu.wait_indirect_dma semaphore(%run_scoped3A : memref<!tpu.dma_semaphore, #tpu.memory_space<semaphore_mem>>) src(%arg13 : memref<128x128xf32, #tpu.memory_space<vmem>>) dst(%dma_wait3A_102 : memref<10000x128xf32, #tpu.memory_space<vmem_shared>>)
          tpu.yield
        }) : () -> ()
        "tpu.region"() ({
          %run_scoped3A = tpu.sem_alloc : memref<!tpu.dma_semaphore, #tpu.memory_space<semaphore_mem>>
          %dma_start3A_97 = arith.constant 0 : i32
          %dma_start3A_98 = arith.constant 0 : i32
          %dma_start3A_99 = tpu.memref_slice %arg23[%dma_start3A_97, %dma_start3A_98] : memref<10000x16xf32, #tpu.memory_space<vmem_shared>> -> memref<10000x16xf32, #tpu.memory_space<vmem_shared>>
          tpu.enqueue_indirect_dma source(%arg22 : memref<128x16xf32, #tpu.memory_space<vmem>>) target(%dma_start3A_99 : memref<10000x16xf32, #tpu.memory_space<vmem_shared>>) offsets(%arg11 : memref<128xi32, #tpu.memory_space<vmem>>) semaphore(%run_scoped3A : memref<!tpu.dma_semaphore, #tpu.memory_space<semaphore_mem>>) {add = true}
          %dma_wait3A_100 = arith.constant 0 : i32
          %dma_wait3A_101 = arith.constant 0 : i32
          %dma_wait3A_102 = tpu.memref_slice %arg23[%dma_wait3A_100, %dma_wait3A_101] : memref<10000x16xf32, #tpu.memory_space<vmem_shared>> -> memref<10000x16xf32, #tpu.memory_space<vmem_shared>>
          tpu.wait_indirect_dma semaphore(%run_scoped3A : memref<!tpu.dma_semaphore, #tpu.memory_space<semaphore_mem>>) src(%arg22 : memref<128x16xf32, #tpu.memory_space<vmem>>) dst(%dma_wait3A_102 : memref<10000x16xf32, #tpu.memory_space<vmem_shared>>)
          tpu.yield
        }) : () -> ()
        %add3A_91 = arith.constant 2 : i32
        %add3A_92 = arith.addi %mul3A_56, %add3A_91 : i32
        %lt3A_93 = arith.cmpi slt, %add3A_92, %add3A_10 : i32
        %convert_element_type3A_94 = arith.extui %lt3A_93 : i1 to i32
        %cond3A_95 = arith.constant 0 : i32
        %cond3A_96 = arith.cmpi ne, %convert_element_type3A_94, %cond3A_95 : i32
        scf.if %cond3A_96 {
          %add3A_97 = arith.constant 2 : i32
          %add3A_98 = arith.addi %add3A_57, %add3A_97 : i32
          %dma_start3A_99 = arith.constant 0 : i32
          %dma_start3A_100 = tpu.memref_slice %arg3[%add3A_98, %dma_start3A_99] : memref<2500x128xi32, #tpu.memory_space<hbm>> -> memref<1x128xi32, #tpu.memory_space<hbm>>
          %dma_start3A_101 = tpu.memref_squeeze %dma_start3A_100 : memref<1x128xi32, #tpu.memory_space<hbm>> -> memref<128xi32, #tpu.memory_space<hbm>>
          %dma_start3A_102 = arith.constant 0 : i32
          %dma_start3A_103 = tpu.memref_slice %arg3[%add3A_98, %dma_start3A_102] : memref<2500x128xi32, #tpu.memory_space<hbm>> -> memref<1x128xi32, #tpu.memory_space<hbm>>
          %dma_start3A_104 = tpu.memref_squeeze %dma_start3A_103 : memref<1x128xi32, #tpu.memory_space<hbm>> -> memref<128xi32, #tpu.memory_space<hbm>>
          tpu.enqueue_dma source(%dma_start3A_104 : memref<128xi32, #tpu.memory_space<hbm>>) target(%arg9 : memref<128xi32, #tpu.memory_space<vmem>>) target_semaphore(%arg16 : memref<!tpu.dma_semaphore, #tpu.memory_space<semaphore_mem>>)
          %add3A_105 = arith.constant 2 : i32
          %add3A_106 = arith.addi %add3A_57, %add3A_105 : i32
          %dma_start3A_107 = arith.constant 0 : i32
          %dma_start3A_108 = tpu.memref_slice %arg4[%add3A_106, %dma_start3A_107] : memref<2500x128xi32, #tpu.memory_space<hbm>> -> memref<1x128xi32, #tpu.memory_space<hbm>>
          %dma_start3A_109 = tpu.memref_squeeze %dma_start3A_108 : memref<1x128xi32, #tpu.memory_space<hbm>> -> memref<128xi32, #tpu.memory_space<hbm>>
          %dma_start3A_110 = arith.constant 0 : i32
          %dma_start3A_111 = tpu.memref_slice %arg4[%add3A_106, %dma_start3A_110] : memref<2500x128xi32, #tpu.memory_space<hbm>> -> memref<1x128xi32, #tpu.memory_space<hbm>>
          %dma_start3A_112 = tpu.memref_squeeze %dma_start3A_111 : memref<1x128xi32, #tpu.memory_space<hbm>> -> memref<128xi32, #tpu.memory_space<hbm>>
          tpu.enqueue_dma source(%dma_start3A_112 : memref<128xi32, #tpu.memory_space<hbm>>) target(%arg11 : memref<128xi32, #tpu.memory_space<vmem>>) target_semaphore(%arg18 : memref<!tpu.dma_semaphore, #tpu.memory_space<semaphore_mem>>)
        } else {
        }
      } else {
      }
      %mul3A_66 = arith.constant 2 : i32
      %mul3A_67 = arith.muli %mul3A_66, %scan3A_53 : i32
      %add3A_68 = arith.constant 1 : i32
      %add3A_69 = arith.addi %mul3A_67, %add3A_68 : i32
      %add3A_70 = arith.addi %add3A_6, %add3A_69 : i32
      %add3A_71 = arith.constant 1 : i32
      %add3A_72 = arith.addi %add3A_69, %add3A_71 : i32
      %lt3A_73 = arith.cmpi slt, %add3A_72, %add3A_10 : i32
      %convert_element_type3A_74 = arith.extui %lt3A_73 : i1 to i32
      %cond3A_75 = arith.constant 0 : i32
      %cond3A_76 = arith.cmpi ne, %convert_element_type3A_74, %cond3A_75 : i32
      scf.if %cond3A_76 {
        %add3A_82 = arith.constant 1 : i32
        %add3A_83 = arith.addi %add3A_70, %add3A_82 : i32
        %dma_wait3A_84 = arith.constant 0 : i32
        %dma_wait3A_85 = tpu.memref_slice %arg3[%add3A_83, %dma_wait3A_84] : memref<2500x128xi32, #tpu.memory_space<hbm>> -> memref<1x128xi32, #tpu.memory_space<hbm>>
        %dma_wait3A_86 = tpu.memref_squeeze %dma_wait3A_85 : memref<1x128xi32, #tpu.memory_space<hbm>> -> memref<128xi32, #tpu.memory_space<hbm>>
        %dma_wait3A_87 = arith.constant 0 : i32
        %dma_wait3A_88 = tpu.memref_slice %arg3[%add3A_83, %dma_wait3A_87] : memref<2500x128xi32, #tpu.memory_space<hbm>> -> memref<1x128xi32, #tpu.memory_space<hbm>>
        %dma_wait3A_89 = tpu.memref_squeeze %dma_wait3A_88 : memref<1x128xi32, #tpu.memory_space<hbm>> -> memref<128xi32, #tpu.memory_space<hbm>>
        tpu.wait_dma2 semaphore(%arg16 : memref<!tpu.dma_semaphore, #tpu.memory_space<semaphore_mem>>) src(%dma_wait3A_89 : memref<128xi32, #tpu.memory_space<hbm>>) dst(%arg9 : memref<128xi32, #tpu.memory_space<vmem>>)
        %dma_start3A_90 = arith.constant 0 : i32
        %dma_start3A_91 = arith.constant 0 : i32
        %dma_start3A_92 = tpu.memref_slice %arg2[%dma_start3A_90, %dma_start3A_91] : memref<10000x128xf32, #tpu.memory_space<hbm>> -> memref<10000x128xf32, #tpu.memory_space<hbm>>
        tpu.enqueue_indirect_dma source(%dma_start3A_92 : memref<10000x128xf32, #tpu.memory_space<hbm>>) target(%arg13 : memref<128x128xf32, #tpu.memory_space<vmem>>) offsets(%arg9 : memref<128xi32, #tpu.memory_space<vmem>>) semaphore(%arg20 : memref<!tpu.dma_semaphore, #tpu.memory_space<semaphore_mem>>)
      } else {
      }
      %lt3A_77 = arith.cmpi slt, %add3A_69, %add3A_10 : i32
      %convert_element_type3A_78 = arith.extui %lt3A_77 : i1 to i32
      %cond3A_79 = arith.constant 0 : i32
      %cond3A_80 = arith.cmpi ne, %convert_element_type3A_78, %cond3A_79 : i32
      scf.if %cond3A_80 {
        %dma_wait3A_82 = arith.constant 0 : i32
        %dma_wait3A_83 = arith.constant 0 : i32
        %dma_wait3A_84 = tpu.memref_slice %arg2[%dma_wait3A_82, %dma_wait3A_83] : memref<10000x128xf32, #tpu.memory_space<hbm>> -> memref<10000x128xf32, #tpu.memory_space<hbm>>
        tpu.wait_indirect_dma semaphore(%arg21 : memref<!tpu.dma_semaphore, #tpu.memory_space<semaphore_mem>>) src(%dma_wait3A_84 : memref<10000x128xf32, #tpu.memory_space<hbm>>) dst(%arg14 : memref<128x128xf32, #tpu.memory_space<vmem>>)
        %dma_wait3A_85 = arith.constant 0 : i32
        %dma_wait3A_86 = tpu.memref_slice %arg4[%add3A_70, %dma_wait3A_85] : memref<2500x128xi32, #tpu.memory_space<hbm>> -> memref<1x128xi32, #tpu.memory_space<hbm>>
        %dma_wait3A_87 = tpu.memref_squeeze %dma_wait3A_86 : memref<1x128xi32, #tpu.memory_space<hbm>> -> memref<128xi32, #tpu.memory_space<hbm>>
        %dma_wait3A_88 = arith.constant 0 : i32
        %dma_wait3A_89 = tpu.memref_slice %arg4[%add3A_70, %dma_wait3A_88] : memref<2500x128xi32, #tpu.memory_space<hbm>> -> memref<1x128xi32, #tpu.memory_space<hbm>>
        %dma_wait3A_90 = tpu.memref_squeeze %dma_wait3A_89 : memref<1x128xi32, #tpu.memory_space<hbm>> -> memref<128xi32, #tpu.memory_space<hbm>>
        tpu.wait_dma2 semaphore(%arg19 : memref<!tpu.dma_semaphore, #tpu.memory_space<semaphore_mem>>) src(%dma_wait3A_90 : memref<128xi32, #tpu.memory_space<hbm>>) dst(%arg12 : memref<128xi32, #tpu.memory_space<vmem>>)
        "tpu.region"() ({
          %run_scoped3A = tpu.sem_alloc : memref<!tpu.dma_semaphore, #tpu.memory_space<semaphore_mem>>
          %dma_start3A_97 = arith.constant 0 : i32
          %dma_start3A_98 = arith.constant 0 : i32
          %dma_start3A_99 = tpu.memref_slice %arg15[%dma_start3A_97, %dma_start3A_98] : memref<10000x128xf32, #tpu.memory_space<vmem_shared>> -> memref<10000x128xf32, #tpu.memory_space<vmem_shared>>
          tpu.enqueue_indirect_dma source(%arg14 : memref<128x128xf32, #tpu.memory_space<vmem>>) target(%dma_start3A_99 : memref<10000x128xf32, #tpu.memory_space<vmem_shared>>) offsets(%arg12 : memref<128xi32, #tpu.memory_space<vmem>>) semaphore(%run_scoped3A : memref<!tpu.dma_semaphore, #tpu.memory_space<semaphore_mem>>) {add = true}
          %dma_wait3A_100 = arith.constant 0 : i32
          %dma_wait3A_101 = arith.constant 0 : i32
          %dma_wait3A_102 = tpu.memref_slice %arg15[%dma_wait3A_100, %dma_wait3A_101] : memref<10000x128xf32, #tpu.memory_space<vmem_shared>> -> memref<10000x128xf32, #tpu.memory_space<vmem_shared>>
          tpu.wait_indirect_dma semaphore(%run_scoped3A : memref<!tpu.dma_semaphore, #tpu.memory_space<semaphore_mem>>) src(%arg14 : memref<128x128xf32, #tpu.memory_space<vmem>>) dst(%dma_wait3A_102 : memref<10000x128xf32, #tpu.memory_space<vmem_shared>>)
          tpu.yield
        }) : () -> ()
        "tpu.region"() ({
          %run_scoped3A = tpu.sem_alloc : memref<!tpu.dma_semaphore, #tpu.memory_space<semaphore_mem>>
          %dma_start3A_97 = arith.constant 0 : i32
          %dma_start3A_98 = arith.constant 0 : i32
          %dma_start3A_99 = tpu.memref_slice %arg23[%dma_start3A_97, %dma_start3A_98] : memref<10000x16xf32, #tpu.memory_space<vmem_shared>> -> memref<10000x16xf32, #tpu.memory_space<vmem_shared>>
          tpu.enqueue_indirect_dma source(%arg22 : memref<128x16xf32, #tpu.memory_space<vmem>>) target(%dma_start3A_99 : memref<10000x16xf32, #tpu.memory_space<vmem_shared>>) offsets(%arg12 : memref<128xi32, #tpu.memory_space<vmem>>) semaphore(%run_scoped3A : memref<!tpu.dma_semaphore, #tpu.memory_space<semaphore_mem>>) {add = true}
          %dma_wait3A_100 = arith.constant 0 : i32
          %dma_wait3A_101 = arith.constant 0 : i32
          %dma_wait3A_102 = tpu.memref_slice %arg23[%dma_wait3A_100, %dma_wait3A_101] : memref<10000x16xf32, #tpu.memory_space<vmem_shared>> -> memref<10000x16xf32, #tpu.memory_space<vmem_shared>>
          tpu.wait_indirect_dma semaphore(%run_scoped3A : memref<!tpu.dma_semaphore, #tpu.memory_space<semaphore_mem>>) src(%arg22 : memref<128x16xf32, #tpu.memory_space<vmem>>) dst(%dma_wait3A_102 : memref<10000x16xf32, #tpu.memory_space<vmem_shared>>)
          tpu.yield
        }) : () -> ()
        %add3A_91 = arith.constant 2 : i32
        %add3A_92 = arith.addi %add3A_69, %add3A_91 : i32
        %lt3A_93 = arith.cmpi slt, %add3A_92, %add3A_10 : i32
        %convert_element_type3A_94 = arith.extui %lt3A_93 : i1 to i32
        %cond3A_95 = arith.constant 0 : i32
        %cond3A_96 = arith.cmpi ne, %convert_element_type3A_94, %cond3A_95 : i32
        scf.if %cond3A_96 {
          %add3A_97 = arith.constant 2 : i32
          %add3A_98 = arith.addi %add3A_70, %add3A_97 : i32
          %dma_start3A_99 = arith.constant 0 : i32
          %dma_start3A_100 = tpu.memref_slice %arg3[%add3A_98, %dma_start3A_99] : memref<2500x128xi32, #tpu.memory_space<hbm>> -> memref<1x128xi32, #tpu.memory_space<hbm>>
          %dma_start3A_101 = tpu.memref_squeeze %dma_start3A_100 : memref<1x128xi32, #tpu.memory_space<hbm>> -> memref<128xi32, #tpu.memory_space<hbm>>
          %dma_start3A_102 = arith.constant 0 : i32
          %dma_start3A_103 = tpu.memref_slice %arg3[%add3A_98, %dma_start3A_102] : memref<2500x128xi32, #tpu.memory_space<hbm>> -> memref<1x128xi32, #tpu.memory_space<hbm>>
          %dma_start3A_104 = tpu.memref_squeeze %dma_start3A_103 : memref<1x128xi32, #tpu.memory_space<hbm>> -> memref<128xi32, #tpu.memory_space<hbm>>
          tpu.enqueue_dma source(%dma_start3A_104 : memref<128xi32, #tpu.memory_space<hbm>>) target(%arg10 : memref<128xi32, #tpu.memory_space<vmem>>) target_semaphore(%arg17 : memref<!tpu.dma_semaphore, #tpu.memory_space<semaphore_mem>>)
          %add3A_105 = arith.constant 2 : i32
          %add3A_106 = arith.addi %add3A_70, %add3A_105 : i32
          %dma_start3A_107 = arith.constant 0 : i32
          %dma_start3A_108 = tpu.memref_slice %arg4[%add3A_106, %dma_start3A_107] : memref<2500x128xi32, #tpu.memory_space<hbm>> -> memref<1x128xi32, #tpu.memory_space<hbm>>
          %dma_start3A_109 = tpu.memref_squeeze %dma_start3A_108 : memref<1x128xi32, #tpu.memory_space<hbm>> -> memref<128xi32, #tpu.memory_space<hbm>>
          %dma_start3A_110 = arith.constant 0 : i32
          %dma_start3A_111 = tpu.memref_slice %arg4[%add3A_106, %dma_start3A_110] : memref<2500x128xi32, #tpu.memory_space<hbm>> -> memref<1x128xi32, #tpu.memory_space<hbm>>
          %dma_start3A_112 = tpu.memref_squeeze %dma_start3A_111 : memref<1x128xi32, #tpu.memory_space<hbm>> -> memref<128xi32, #tpu.memory_space<hbm>>
          tpu.enqueue_dma source(%dma_start3A_112 : memref<128xi32, #tpu.memory_space<hbm>>) target(%arg12 : memref<128xi32, #tpu.memory_space<vmem>>) target_semaphore(%arg19 : memref<!tpu.dma_semaphore, #tpu.memory_space<semaphore_mem>>)
        } else {
        }
      } else {
      }
      %scan3A_81 = arith.constant 0 : i32
      scf.yield %scan3A_81 : i32
    }
    %scan3A_51 = arith.constant 40 : i32
    %barrier3A_52 = arith.constant 0 : index
    tpu.barrier barrier_id(%barrier3A_52)
    "tpu.region"() ({
      %run_scoped3A = tpu.sem_alloc : memref<!tpu.dma_semaphore, #tpu.memory_space<semaphore_mem>>
      %dma_start3A_53 = arith.constant 0 : i32
      %dma_start3A_54 = tpu.memref_slice %arg7[%arg0, %mul3A_2, %dma_start3A_53] : memref<2x10000x128xf32, #tpu.memory_space<hbm>> -> memref<1x625x128xf32, #tpu.memory_space<hbm>>
      %dma_start3A_55 = tpu.memref_squeeze %dma_start3A_54 : memref<1x625x128xf32, #tpu.memory_space<hbm>> -> memref<625x128xf32, #tpu.memory_space<hbm>>
      %dma_start3A_56 = arith.constant 0 : i32
      %dma_start3A_57 = tpu.memref_slice %arg15[%mul3A_2, %dma_start3A_56] : memref<10000x128xf32, #tpu.memory_space<vmem_shared>> -> memref<625x128xf32, #tpu.memory_space<vmem_shared>>
      tpu.enqueue_dma source(%dma_start3A_57 : memref<625x128xf32, #tpu.memory_space<vmem_shared>>) target(%dma_start3A_55 : memref<625x128xf32, #tpu.memory_space<hbm>>) target_semaphore(%run_scoped3A : memref<!tpu.dma_semaphore, #tpu.memory_space<semaphore_mem>>)
      %dma_wait3A_58 = arith.constant 0 : i32
      %dma_wait3A_59 = tpu.memref_slice %arg7[%arg0, %mul3A_2, %dma_wait3A_58] : memref<2x10000x128xf32, #tpu.memory_space<hbm>> -> memref<1x625x128xf32, #tpu.memory_space<hbm>>
      %dma_wait3A_60 = tpu.memref_squeeze %dma_wait3A_59 : memref<1x625x128xf32, #tpu.memory_space<hbm>> -> memref<625x128xf32, #tpu.memory_space<hbm>>
      %dma_wait3A_61 = arith.constant 0 : i32
      %dma_wait3A_62 = tpu.memref_slice %arg15[%mul3A_2, %dma_wait3A_61] : memref<10000x128xf32, #tpu.memory_space<vmem_shared>> -> memref<625x128xf32, #tpu.memory_space<vmem_shared>>
      tpu.wait_dma2 semaphore(%run_scoped3A : memref<!tpu.dma_semaphore, #tpu.memory_space<semaphore_mem>>) src(%dma_wait3A_62 : memref<625x128xf32, #tpu.memory_space<vmem_shared>>) dst(%dma_wait3A_60 : memref<625x128xf32, #tpu.memory_space<hbm>>)
      tpu.yield
    }) : () -> ()
    "tpu.region"() ({
      %run_scoped3A = tpu.sem_alloc : memref<!tpu.dma_semaphore, #tpu.memory_space<semaphore_mem>>
      %dma_start3A_53 = arith.constant 0 : i32
      %dma_start3A_54 = tpu.memref_slice %arg8[%arg0, %mul3A_2, %dma_start3A_53] : memref<2x10000x16xf32, #tpu.memory_space<hbm>> -> memref<1x625x16xf32, #tpu.memory_space<hbm>>
      %dma_start3A_55 = tpu.memref_squeeze %dma_start3A_54 : memref<1x625x16xf32, #tpu.memory_space<hbm>> -> memref<625x16xf32, #tpu.memory_space<hbm>>
      %dma_start3A_56 = arith.constant 0 : i32
      %dma_start3A_57 = tpu.memref_slice %arg23[%mul3A_2, %dma_start3A_56] : memref<10000x16xf32, #tpu.memory_space<vmem_shared>> -> memref<625x16xf32, #tpu.memory_space<vmem_shared>>
      tpu.enqueue_dma source(%dma_start3A_57 : memref<625x16xf32, #tpu.memory_space<vmem_shared>>) target(%dma_start3A_55 : memref<625x16xf32, #tpu.memory_space<hbm>>) target_semaphore(%run_scoped3A : memref<!tpu.dma_semaphore, #tpu.memory_space<semaphore_mem>>)
      %dma_wait3A_58 = arith.constant 0 : i32
      %dma_wait3A_59 = tpu.memref_slice %arg8[%arg0, %mul3A_2, %dma_wait3A_58] : memref<2x10000x16xf32, #tpu.memory_space<hbm>> -> memref<1x625x16xf32, #tpu.memory_space<hbm>>
      %dma_wait3A_60 = tpu.memref_squeeze %dma_wait3A_59 : memref<1x625x16xf32, #tpu.memory_space<hbm>> -> memref<625x16xf32, #tpu.memory_space<hbm>>
      %dma_wait3A_61 = arith.constant 0 : i32
      %dma_wait3A_62 = tpu.memref_slice %arg23[%mul3A_2, %dma_wait3A_61] : memref<10000x16xf32, #tpu.memory_space<vmem_shared>> -> memref<625x16xf32, #tpu.memory_space<vmem_shared>>
      tpu.wait_dma2 semaphore(%run_scoped3A : memref<!tpu.dma_semaphore, #tpu.memory_space<semaphore_mem>>) src(%dma_wait3A_62 : memref<625x16xf32, #tpu.memory_space<vmem_shared>>) dst(%dma_wait3A_60 : memref<625x16xf32, #tpu.memory_space<hbm>>)
      tpu.yield
    }) : () -> ()
    return
  }
}

#map = affine_map<(d0, d1) -> (0, 0)>
#map1 = affine_map<(d0, d1) -> (0, 0, 0)>
module attributes {stable_mosaic.version = 14 : i64} {
  func.func @seg_sum(%arg0: i32, %arg1: i32, %arg2: memref<10000x64xf32, #tpu.memory_space<hbm>>, %arg3: memref<2500x128xi32, #tpu.memory_space<hbm>>, %arg4: memref<2500x128xi32, #tpu.memory_space<hbm>>, %arg5: memref<625x64xf32, #tpu.memory_space<hbm>>, %arg6: memref<2x10000x64xf32, #tpu.memory_space<hbm>>, %arg7: memref<128xi32, #tpu.memory_space<vmem>>, %arg8: memref<128xi32, #tpu.memory_space<vmem>>, %arg9: memref<128xi32, #tpu.memory_space<vmem>>, %arg10: memref<128xi32, #tpu.memory_space<vmem>>, %arg11: memref<128x64xf32, #tpu.memory_space<vmem>>, %arg12: memref<128x64xf32, #tpu.memory_space<vmem>>, %arg13: memref<10000x64xf32, #tpu.memory_space<vmem_shared>>, %arg14: memref<!tpu.dma_semaphore, #tpu.memory_space<semaphore_mem>>, %arg15: memref<!tpu.dma_semaphore, #tpu.memory_space<semaphore_mem>>, %arg16: memref<!tpu.dma_semaphore, #tpu.memory_space<semaphore_mem>>, %arg17: memref<!tpu.dma_semaphore, #tpu.memory_space<semaphore_mem>>, %arg18: memref<!tpu.dma_semaphore, #tpu.memory_space<semaphore_mem>>, %arg19: memref<!tpu.dma_semaphore, #tpu.memory_space<semaphore_mem>>) attributes {dimension_semantics = [#tpu.dimension_semantics<core_parallel>, #tpu.dimension_semantics<subcore_parallel>], iteration_bounds = array<i64: 2, 16>, scalar_prefetch = 0 : i64, scratch_operands = 13 : i64, tpu.core_type = #tpu.core_type<sc_vector_subcore>, window_params = [{transform_indices = #map}, {transform_indices = #map}, {transform_indices = #map}, {transform_indices = #map}, {transform_indices = #map1}]} {
    %mul3A = arith.constant 16 : i32
    %mul3A_0 = arith.muli %arg0, %mul3A : i32
    %add3A = arith.addi %mul3A_0, %arg1 : i32
    %mul3A_1 = arith.constant 625 : i32
    %mul3A_2 = arith.muli %arg1, %mul3A_1 : i32
    %mul3A_3 = arith.constant 78 : i32
    %mul3A_4 = arith.muli %add3A, %mul3A_3 : i32
    %min3A = arith.constant 4 : i32
    %min3A_5 = arith.minsi %add3A, %min3A : i32
    %add3A_6 = arith.addi %mul3A_4, %min3A_5 : i32
    %lt3A = arith.constant 4 : i32
    %lt3A_7 = arith.cmpi slt, %add3A, %lt3A : i32
    %jit3A = arith.constant 1 : i32
    %jit3A_8 = arith.constant 0 : i32
    %select_n3A = arith.select %lt3A_7, %jit3A, %jit3A_8 : i32
    %add3A_9 = arith.constant 78 : i32
    %add3A_10 = arith.addi %add3A_9, %select_n3A : i32
    %dma_start3A = arith.constant 0 : i32
    %dma_start3A_11 = tpu.memref_slice %arg3[%add3A_6, %dma_start3A] : memref<2500x128xi32, #tpu.memory_space<hbm>> -> memref<1x128xi32, #tpu.memory_space<hbm>>
    %dma_start3A_12 = tpu.memref_squeeze %dma_start3A_11 : memref<1x128xi32, #tpu.memory_space<hbm>> -> memref<128xi32, #tpu.memory_space<hbm>>
    %dma_start3A_13 = arith.constant 0 : i32
    %dma_start3A_14 = tpu.memref_slice %arg3[%add3A_6, %dma_start3A_13] : memref<2500x128xi32, #tpu.memory_space<hbm>> -> memref<1x128xi32, #tpu.memory_space<hbm>>
    %dma_start3A_15 = tpu.memref_squeeze %dma_start3A_14 : memref<1x128xi32, #tpu.memory_space<hbm>> -> memref<128xi32, #tpu.memory_space<hbm>>
    tpu.enqueue_dma source(%dma_start3A_15 : memref<128xi32, #tpu.memory_space<hbm>>) target(%arg7 : memref<128xi32, #tpu.memory_space<vmem>>) target_semaphore(%arg14 : memref<!tpu.dma_semaphore, #tpu.memory_space<semaphore_mem>>)
    %dma_start3A_16 = arith.constant 0 : i32
    %dma_start3A_17 = tpu.memref_slice %arg4[%add3A_6, %dma_start3A_16] : memref<2500x128xi32, #tpu.memory_space<hbm>> -> memref<1x128xi32, #tpu.memory_space<hbm>>
    %dma_start3A_18 = tpu.memref_squeeze %dma_start3A_17 : memref<1x128xi32, #tpu.memory_space<hbm>> -> memref<128xi32, #tpu.memory_space<hbm>>
    %dma_start3A_19 = arith.constant 0 : i32
    %dma_start3A_20 = tpu.memref_slice %arg4[%add3A_6, %dma_start3A_19] : memref<2500x128xi32, #tpu.memory_space<hbm>> -> memref<1x128xi32, #tpu.memory_space<hbm>>
    %dma_start3A_21 = tpu.memref_squeeze %dma_start3A_20 : memref<1x128xi32, #tpu.memory_space<hbm>> -> memref<128xi32, #tpu.memory_space<hbm>>
    tpu.enqueue_dma source(%dma_start3A_21 : memref<128xi32, #tpu.memory_space<hbm>>) target(%arg9 : memref<128xi32, #tpu.memory_space<vmem>>) target_semaphore(%arg16 : memref<!tpu.dma_semaphore, #tpu.memory_space<semaphore_mem>>)
    %add3A_22 = arith.constant 1 : i32
    %add3A_23 = arith.addi %add3A_6, %add3A_22 : i32
    %dma_start3A_24 = arith.constant 0 : i32
    %dma_start3A_25 = tpu.memref_slice %arg3[%add3A_23, %dma_start3A_24] : memref<2500x128xi32, #tpu.memory_space<hbm>> -> memref<1x128xi32, #tpu.memory_space<hbm>>
    %dma_start3A_26 = tpu.memref_squeeze %dma_start3A_25 : memref<1x128xi32, #tpu.memory_space<hbm>> -> memref<128xi32, #tpu.memory_space<hbm>>
    %dma_start3A_27 = arith.constant 0 : i32
    %dma_start3A_28 = tpu.memref_slice %arg3[%add3A_23, %dma_start3A_27] : memref<2500x128xi32, #tpu.memory_space<hbm>> -> memref<1x128xi32, #tpu.memory_space<hbm>>
    %dma_start3A_29 = tpu.memref_squeeze %dma_start3A_28 : memref<1x128xi32, #tpu.memory_space<hbm>> -> memref<128xi32, #tpu.memory_space<hbm>>
    tpu.enqueue_dma source(%dma_start3A_29 : memref<128xi32, #tpu.memory_space<hbm>>) target(%arg8 : memref<128xi32, #tpu.memory_space<vmem>>) target_semaphore(%arg15 : memref<!tpu.dma_semaphore, #tpu.memory_space<semaphore_mem>>)
    %add3A_30 = arith.constant 1 : i32
    %add3A_31 = arith.addi %add3A_6, %add3A_30 : i32
    %dma_start3A_32 = arith.constant 0 : i32
    %dma_start3A_33 = tpu.memref_slice %arg4[%add3A_31, %dma_start3A_32] : memref<2500x128xi32, #tpu.memory_space<hbm>> -> memref<1x128xi32, #tpu.memory_space<hbm>>
    %dma_start3A_34 = tpu.memref_squeeze %dma_start3A_33 : memref<1x128xi32, #tpu.memory_space<hbm>> -> memref<128xi32, #tpu.memory_space<hbm>>
    %dma_start3A_35 = arith.constant 0 : i32
    %dma_start3A_36 = tpu.memref_slice %arg4[%add3A_31, %dma_start3A_35] : memref<2500x128xi32, #tpu.memory_space<hbm>> -> memref<1x128xi32, #tpu.memory_space<hbm>>
    %dma_start3A_37 = tpu.memref_squeeze %dma_start3A_36 : memref<1x128xi32, #tpu.memory_space<hbm>> -> memref<128xi32, #tpu.memory_space<hbm>>
    tpu.enqueue_dma source(%dma_start3A_37 : memref<128xi32, #tpu.memory_space<hbm>>) target(%arg10 : memref<128xi32, #tpu.memory_space<vmem>>) target_semaphore(%arg17 : memref<!tpu.dma_semaphore, #tpu.memory_space<semaphore_mem>>)
    "tpu.region"() ({
      %run_scoped3A = tpu.sem_alloc : memref<!tpu.dma_semaphore, #tpu.memory_space<semaphore_mem>>
      %dma_start3A_53 = arith.constant 0 : i32
      %dma_start3A_54 = tpu.memref_slice %arg13[%mul3A_2, %dma_start3A_53] : memref<10000x64xf32, #tpu.memory_space<vmem_shared>> -> memref<625x64xf32, #tpu.memory_space<vmem_shared>>
      tpu.enqueue_dma source(%arg5 : memref<625x64xf32, #tpu.memory_space<hbm>>) target(%dma_start3A_54 : memref<625x64xf32, #tpu.memory_space<vmem_shared>>) target_semaphore(%run_scoped3A : memref<!tpu.dma_semaphore, #tpu.memory_space<semaphore_mem>>)
      %dma_wait3A_55 = arith.constant 0 : i32
      %dma_wait3A_56 = tpu.memref_slice %arg13[%mul3A_2, %dma_wait3A_55] : memref<10000x64xf32, #tpu.memory_space<vmem_shared>> -> memref<625x64xf32, #tpu.memory_space<vmem_shared>>
      tpu.wait_dma2 semaphore(%run_scoped3A : memref<!tpu.dma_semaphore, #tpu.memory_space<semaphore_mem>>) src(%arg5 : memref<625x64xf32, #tpu.memory_space<hbm>>) dst(%dma_wait3A_56 : memref<625x64xf32, #tpu.memory_space<vmem_shared>>)
      tpu.yield
    }) : () -> ()
    %barrier3A = arith.constant 0 : index
    tpu.barrier barrier_id(%barrier3A)
    %dma_wait3A = arith.constant 0 : i32
    %dma_wait3A_38 = tpu.memref_slice %arg3[%add3A_6, %dma_wait3A] : memref<2500x128xi32, #tpu.memory_space<hbm>> -> memref<1x128xi32, #tpu.memory_space<hbm>>
    %dma_wait3A_39 = tpu.memref_squeeze %dma_wait3A_38 : memref<1x128xi32, #tpu.memory_space<hbm>> -> memref<128xi32, #tpu.memory_space<hbm>>
    %dma_wait3A_40 = arith.constant 0 : i32
    %dma_wait3A_41 = tpu.memref_slice %arg3[%add3A_6, %dma_wait3A_40] : memref<2500x128xi32, #tpu.memory_space<hbm>> -> memref<1x128xi32, #tpu.memory_space<hbm>>
    %dma_wait3A_42 = tpu.memref_squeeze %dma_wait3A_41 : memref<1x128xi32, #tpu.memory_space<hbm>> -> memref<128xi32, #tpu.memory_space<hbm>>
    tpu.wait_dma2 semaphore(%arg14 : memref<!tpu.dma_semaphore, #tpu.memory_space<semaphore_mem>>) src(%dma_wait3A_42 : memref<128xi32, #tpu.memory_space<hbm>>) dst(%arg7 : memref<128xi32, #tpu.memory_space<vmem>>)
    %dma_start3A_43 = arith.constant 0 : i32
    %dma_start3A_44 = arith.constant 0 : i32
    %dma_start3A_45 = tpu.memref_slice %arg2[%dma_start3A_43, %dma_start3A_44] : memref<10000x64xf32, #tpu.memory_space<hbm>> -> memref<10000x64xf32, #tpu.memory_space<hbm>>
    tpu.enqueue_indirect_dma source(%dma_start3A_45 : memref<10000x64xf32, #tpu.memory_space<hbm>>) target(%arg11 : memref<128x64xf32, #tpu.memory_space<vmem>>) offsets(%arg7 : memref<128xi32, #tpu.memory_space<vmem>>) semaphore(%arg18 : memref<!tpu.dma_semaphore, #tpu.memory_space<semaphore_mem>>)
    %scan3A = arith.constant 0 : i32
    %scan3A_46 = arith.constant 0 : i32
    %scan3A_47 = arith.constant 40 : i32
    %scan3A_48 = arith.addi %scan3A_46, %scan3A_47 : i32
    %scan3A_49 = arith.constant 1 : i32
    %scan3A_50 = scf.for %scan3A_53 = %scan3A_46 to %scan3A_48 step %scan3A_49 iter_args(%scan3A_54 = %scan3A) -> (i32)  : i32 {
      %mul3A_55 = arith.constant 2 : i32
      %mul3A_56 = arith.muli %mul3A_55, %scan3A_53 : i32
      %add3A_57 = arith.addi %add3A_6, %mul3A_56 : i32
      %add3A_58 = arith.constant 1 : i32
      %add3A_59 = arith.addi %mul3A_56, %add3A_58 : i32
      %lt3A_60 = arith.cmpi slt, %add3A_59, %add3A_10 : i32
      %convert_element_type3A = arith.extui %lt3A_60 : i1 to i32
      %cond3A = arith.constant 0 : i32
      %cond3A_61 = arith.cmpi ne, %convert_element_type3A, %cond3A : i32
      scf.if %cond3A_61 {
        %add3A_82 = arith.constant 1 : i32
        %add3A_83 = arith.addi %add3A_57, %add3A_82 : i32
        %dma_wait3A_84 = arith.constant 0 : i32
        %dma_wait3A_85 = tpu.memref_slice %arg3[%add3A_83, %dma_wait3A_84] : memref<2500x128xi32, #tpu.memory_space<hbm>> -> memref<1x128xi32, #tpu.memory_space<hbm>>
        %dma_wait3A_86 = tpu.memref_squeeze %dma_wait3A_85 : memref<1x128xi32, #tpu.memory_space<hbm>> -> memref<128xi32, #tpu.memory_space<hbm>>
        %dma_wait3A_87 = arith.constant 0 : i32
        %dma_wait3A_88 = tpu.memref_slice %arg3[%add3A_83, %dma_wait3A_87] : memref<2500x128xi32, #tpu.memory_space<hbm>> -> memref<1x128xi32, #tpu.memory_space<hbm>>
        %dma_wait3A_89 = tpu.memref_squeeze %dma_wait3A_88 : memref<1x128xi32, #tpu.memory_space<hbm>> -> memref<128xi32, #tpu.memory_space<hbm>>
        tpu.wait_dma2 semaphore(%arg15 : memref<!tpu.dma_semaphore, #tpu.memory_space<semaphore_mem>>) src(%dma_wait3A_89 : memref<128xi32, #tpu.memory_space<hbm>>) dst(%arg8 : memref<128xi32, #tpu.memory_space<vmem>>)
        %dma_start3A_90 = arith.constant 0 : i32
        %dma_start3A_91 = arith.constant 0 : i32
        %dma_start3A_92 = tpu.memref_slice %arg2[%dma_start3A_90, %dma_start3A_91] : memref<10000x64xf32, #tpu.memory_space<hbm>> -> memref<10000x64xf32, #tpu.memory_space<hbm>>
        tpu.enqueue_indirect_dma source(%dma_start3A_92 : memref<10000x64xf32, #tpu.memory_space<hbm>>) target(%arg12 : memref<128x64xf32, #tpu.memory_space<vmem>>) offsets(%arg8 : memref<128xi32, #tpu.memory_space<vmem>>) semaphore(%arg19 : memref<!tpu.dma_semaphore, #tpu.memory_space<semaphore_mem>>)
      } else {
      }
      %lt3A_62 = arith.cmpi slt, %mul3A_56, %add3A_10 : i32
      %convert_element_type3A_63 = arith.extui %lt3A_62 : i1 to i32
      %cond3A_64 = arith.constant 0 : i32
      %cond3A_65 = arith.cmpi ne, %convert_element_type3A_63, %cond3A_64 : i32
      scf.if %cond3A_65 {
        %dma_wait3A_82 = arith.constant 0 : i32
        %dma_wait3A_83 = arith.constant 0 : i32
        %dma_wait3A_84 = tpu.memref_slice %arg2[%dma_wait3A_82, %dma_wait3A_83] : memref<10000x64xf32, #tpu.memory_space<hbm>> -> memref<10000x64xf32, #tpu.memory_space<hbm>>
        tpu.wait_indirect_dma semaphore(%arg18 : memref<!tpu.dma_semaphore, #tpu.memory_space<semaphore_mem>>) src(%dma_wait3A_84 : memref<10000x64xf32, #tpu.memory_space<hbm>>) dst(%arg11 : memref<128x64xf32, #tpu.memory_space<vmem>>)
        %dma_wait3A_85 = arith.constant 0 : i32
        %dma_wait3A_86 = tpu.memref_slice %arg4[%add3A_57, %dma_wait3A_85] : memref<2500x128xi32, #tpu.memory_space<hbm>> -> memref<1x128xi32, #tpu.memory_space<hbm>>
        %dma_wait3A_87 = tpu.memref_squeeze %dma_wait3A_86 : memref<1x128xi32, #tpu.memory_space<hbm>> -> memref<128xi32, #tpu.memory_space<hbm>>
        %dma_wait3A_88 = arith.constant 0 : i32
        %dma_wait3A_89 = tpu.memref_slice %arg4[%add3A_57, %dma_wait3A_88] : memref<2500x128xi32, #tpu.memory_space<hbm>> -> memref<1x128xi32, #tpu.memory_space<hbm>>
        %dma_wait3A_90 = tpu.memref_squeeze %dma_wait3A_89 : memref<1x128xi32, #tpu.memory_space<hbm>> -> memref<128xi32, #tpu.memory_space<hbm>>
        tpu.wait_dma2 semaphore(%arg16 : memref<!tpu.dma_semaphore, #tpu.memory_space<semaphore_mem>>) src(%dma_wait3A_90 : memref<128xi32, #tpu.memory_space<hbm>>) dst(%arg9 : memref<128xi32, #tpu.memory_space<vmem>>)
        "tpu.region"() ({
          %run_scoped3A = tpu.sem_alloc : memref<!tpu.dma_semaphore, #tpu.memory_space<semaphore_mem>>
          %dma_start3A_97 = arith.constant 0 : i32
          %dma_start3A_98 = arith.constant 0 : i32
          %dma_start3A_99 = tpu.memref_slice %arg13[%dma_start3A_97, %dma_start3A_98] : memref<10000x64xf32, #tpu.memory_space<vmem_shared>> -> memref<10000x64xf32, #tpu.memory_space<vmem_shared>>
          tpu.enqueue_indirect_dma source(%arg11 : memref<128x64xf32, #tpu.memory_space<vmem>>) target(%dma_start3A_99 : memref<10000x64xf32, #tpu.memory_space<vmem_shared>>) offsets(%arg9 : memref<128xi32, #tpu.memory_space<vmem>>) semaphore(%run_scoped3A : memref<!tpu.dma_semaphore, #tpu.memory_space<semaphore_mem>>) {add = true}
          %dma_wait3A_100 = arith.constant 0 : i32
          %dma_wait3A_101 = arith.constant 0 : i32
          %dma_wait3A_102 = tpu.memref_slice %arg13[%dma_wait3A_100, %dma_wait3A_101] : memref<10000x64xf32, #tpu.memory_space<vmem_shared>> -> memref<10000x64xf32, #tpu.memory_space<vmem_shared>>
          tpu.wait_indirect_dma semaphore(%run_scoped3A : memref<!tpu.dma_semaphore, #tpu.memory_space<semaphore_mem>>) src(%arg11 : memref<128x64xf32, #tpu.memory_space<vmem>>) dst(%dma_wait3A_102 : memref<10000x64xf32, #tpu.memory_space<vmem_shared>>)
          tpu.yield
        }) : () -> ()
        %add3A_91 = arith.constant 2 : i32
        %add3A_92 = arith.addi %mul3A_56, %add3A_91 : i32
        %lt3A_93 = arith.cmpi slt, %add3A_92, %add3A_10 : i32
        %convert_element_type3A_94 = arith.extui %lt3A_93 : i1 to i32
        %cond3A_95 = arith.constant 0 : i32
        %cond3A_96 = arith.cmpi ne, %convert_element_type3A_94, %cond3A_95 : i32
        scf.if %cond3A_96 {
          %add3A_97 = arith.constant 2 : i32
          %add3A_98 = arith.addi %add3A_57, %add3A_97 : i32
          %dma_start3A_99 = arith.constant 0 : i32
          %dma_start3A_100 = tpu.memref_slice %arg3[%add3A_98, %dma_start3A_99] : memref<2500x128xi32, #tpu.memory_space<hbm>> -> memref<1x128xi32, #tpu.memory_space<hbm>>
          %dma_start3A_101 = tpu.memref_squeeze %dma_start3A_100 : memref<1x128xi32, #tpu.memory_space<hbm>> -> memref<128xi32, #tpu.memory_space<hbm>>
          %dma_start3A_102 = arith.constant 0 : i32
          %dma_start3A_103 = tpu.memref_slice %arg3[%add3A_98, %dma_start3A_102] : memref<2500x128xi32, #tpu.memory_space<hbm>> -> memref<1x128xi32, #tpu.memory_space<hbm>>
          %dma_start3A_104 = tpu.memref_squeeze %dma_start3A_103 : memref<1x128xi32, #tpu.memory_space<hbm>> -> memref<128xi32, #tpu.memory_space<hbm>>
          tpu.enqueue_dma source(%dma_start3A_104 : memref<128xi32, #tpu.memory_space<hbm>>) target(%arg7 : memref<128xi32, #tpu.memory_space<vmem>>) target_semaphore(%arg14 : memref<!tpu.dma_semaphore, #tpu.memory_space<semaphore_mem>>)
          %add3A_105 = arith.constant 2 : i32
          %add3A_106 = arith.addi %add3A_57, %add3A_105 : i32
          %dma_start3A_107 = arith.constant 0 : i32
          %dma_start3A_108 = tpu.memref_slice %arg4[%add3A_106, %dma_start3A_107] : memref<2500x128xi32, #tpu.memory_space<hbm>> -> memref<1x128xi32, #tpu.memory_space<hbm>>
          %dma_start3A_109 = tpu.memref_squeeze %dma_start3A_108 : memref<1x128xi32, #tpu.memory_space<hbm>> -> memref<128xi32, #tpu.memory_space<hbm>>
          %dma_start3A_110 = arith.constant 0 : i32
          %dma_start3A_111 = tpu.memref_slice %arg4[%add3A_106, %dma_start3A_110] : memref<2500x128xi32, #tpu.memory_space<hbm>> -> memref<1x128xi32, #tpu.memory_space<hbm>>
          %dma_start3A_112 = tpu.memref_squeeze %dma_start3A_111 : memref<1x128xi32, #tpu.memory_space<hbm>> -> memref<128xi32, #tpu.memory_space<hbm>>
          tpu.enqueue_dma source(%dma_start3A_112 : memref<128xi32, #tpu.memory_space<hbm>>) target(%arg9 : memref<128xi32, #tpu.memory_space<vmem>>) target_semaphore(%arg16 : memref<!tpu.dma_semaphore, #tpu.memory_space<semaphore_mem>>)
        } else {
        }
      } else {
      }
      %mul3A_66 = arith.constant 2 : i32
      %mul3A_67 = arith.muli %mul3A_66, %scan3A_53 : i32
      %add3A_68 = arith.constant 1 : i32
      %add3A_69 = arith.addi %mul3A_67, %add3A_68 : i32
      %add3A_70 = arith.addi %add3A_6, %add3A_69 : i32
      %add3A_71 = arith.constant 1 : i32
      %add3A_72 = arith.addi %add3A_69, %add3A_71 : i32
      %lt3A_73 = arith.cmpi slt, %add3A_72, %add3A_10 : i32
      %convert_element_type3A_74 = arith.extui %lt3A_73 : i1 to i32
      %cond3A_75 = arith.constant 0 : i32
      %cond3A_76 = arith.cmpi ne, %convert_element_type3A_74, %cond3A_75 : i32
      scf.if %cond3A_76 {
        %add3A_82 = arith.constant 1 : i32
        %add3A_83 = arith.addi %add3A_70, %add3A_82 : i32
        %dma_wait3A_84 = arith.constant 0 : i32
        %dma_wait3A_85 = tpu.memref_slice %arg3[%add3A_83, %dma_wait3A_84] : memref<2500x128xi32, #tpu.memory_space<hbm>> -> memref<1x128xi32, #tpu.memory_space<hbm>>
        %dma_wait3A_86 = tpu.memref_squeeze %dma_wait3A_85 : memref<1x128xi32, #tpu.memory_space<hbm>> -> memref<128xi32, #tpu.memory_space<hbm>>
        %dma_wait3A_87 = arith.constant 0 : i32
        %dma_wait3A_88 = tpu.memref_slice %arg3[%add3A_83, %dma_wait3A_87] : memref<2500x128xi32, #tpu.memory_space<hbm>> -> memref<1x128xi32, #tpu.memory_space<hbm>>
        %dma_wait3A_89 = tpu.memref_squeeze %dma_wait3A_88 : memref<1x128xi32, #tpu.memory_space<hbm>> -> memref<128xi32, #tpu.memory_space<hbm>>
        tpu.wait_dma2 semaphore(%arg14 : memref<!tpu.dma_semaphore, #tpu.memory_space<semaphore_mem>>) src(%dma_wait3A_89 : memref<128xi32, #tpu.memory_space<hbm>>) dst(%arg7 : memref<128xi32, #tpu.memory_space<vmem>>)
        %dma_start3A_90 = arith.constant 0 : i32
        %dma_start3A_91 = arith.constant 0 : i32
        %dma_start3A_92 = tpu.memref_slice %arg2[%dma_start3A_90, %dma_start3A_91] : memref<10000x64xf32, #tpu.memory_space<hbm>> -> memref<10000x64xf32, #tpu.memory_space<hbm>>
        tpu.enqueue_indirect_dma source(%dma_start3A_92 : memref<10000x64xf32, #tpu.memory_space<hbm>>) target(%arg11 : memref<128x64xf32, #tpu.memory_space<vmem>>) offsets(%arg7 : memref<128xi32, #tpu.memory_space<vmem>>) semaphore(%arg18 : memref<!tpu.dma_semaphore, #tpu.memory_space<semaphore_mem>>)
      } else {
      }
      %lt3A_77 = arith.cmpi slt, %add3A_69, %add3A_10 : i32
      %convert_element_type3A_78 = arith.extui %lt3A_77 : i1 to i32
      %cond3A_79 = arith.constant 0 : i32
      %cond3A_80 = arith.cmpi ne, %convert_element_type3A_78, %cond3A_79 : i32
      scf.if %cond3A_80 {
        %dma_wait3A_82 = arith.constant 0 : i32
        %dma_wait3A_83 = arith.constant 0 : i32
        %dma_wait3A_84 = tpu.memref_slice %arg2[%dma_wait3A_82, %dma_wait3A_83] : memref<10000x64xf32, #tpu.memory_space<hbm>> -> memref<10000x64xf32, #tpu.memory_space<hbm>>
        tpu.wait_indirect_dma semaphore(%arg19 : memref<!tpu.dma_semaphore, #tpu.memory_space<semaphore_mem>>) src(%dma_wait3A_84 : memref<10000x64xf32, #tpu.memory_space<hbm>>) dst(%arg12 : memref<128x64xf32, #tpu.memory_space<vmem>>)
        %dma_wait3A_85 = arith.constant 0 : i32
        %dma_wait3A_86 = tpu.memref_slice %arg4[%add3A_70, %dma_wait3A_85] : memref<2500x128xi32, #tpu.memory_space<hbm>> -> memref<1x128xi32, #tpu.memory_space<hbm>>
        %dma_wait3A_87 = tpu.memref_squeeze %dma_wait3A_86 : memref<1x128xi32, #tpu.memory_space<hbm>> -> memref<128xi32, #tpu.memory_space<hbm>>
        %dma_wait3A_88 = arith.constant 0 : i32
        %dma_wait3A_89 = tpu.memref_slice %arg4[%add3A_70, %dma_wait3A_88] : memref<2500x128xi32, #tpu.memory_space<hbm>> -> memref<1x128xi32, #tpu.memory_space<hbm>>
        %dma_wait3A_90 = tpu.memref_squeeze %dma_wait3A_89 : memref<1x128xi32, #tpu.memory_space<hbm>> -> memref<128xi32, #tpu.memory_space<hbm>>
        tpu.wait_dma2 semaphore(%arg17 : memref<!tpu.dma_semaphore, #tpu.memory_space<semaphore_mem>>) src(%dma_wait3A_90 : memref<128xi32, #tpu.memory_space<hbm>>) dst(%arg10 : memref<128xi32, #tpu.memory_space<vmem>>)
        "tpu.region"() ({
          %run_scoped3A = tpu.sem_alloc : memref<!tpu.dma_semaphore, #tpu.memory_space<semaphore_mem>>
          %dma_start3A_97 = arith.constant 0 : i32
          %dma_start3A_98 = arith.constant 0 : i32
          %dma_start3A_99 = tpu.memref_slice %arg13[%dma_start3A_97, %dma_start3A_98] : memref<10000x64xf32, #tpu.memory_space<vmem_shared>> -> memref<10000x64xf32, #tpu.memory_space<vmem_shared>>
          tpu.enqueue_indirect_dma source(%arg12 : memref<128x64xf32, #tpu.memory_space<vmem>>) target(%dma_start3A_99 : memref<10000x64xf32, #tpu.memory_space<vmem_shared>>) offsets(%arg10 : memref<128xi32, #tpu.memory_space<vmem>>) semaphore(%run_scoped3A : memref<!tpu.dma_semaphore, #tpu.memory_space<semaphore_mem>>) {add = true}
          %dma_wait3A_100 = arith.constant 0 : i32
          %dma_wait3A_101 = arith.constant 0 : i32
          %dma_wait3A_102 = tpu.memref_slice %arg13[%dma_wait3A_100, %dma_wait3A_101] : memref<10000x64xf32, #tpu.memory_space<vmem_shared>> -> memref<10000x64xf32, #tpu.memory_space<vmem_shared>>
          tpu.wait_indirect_dma semaphore(%run_scoped3A : memref<!tpu.dma_semaphore, #tpu.memory_space<semaphore_mem>>) src(%arg12 : memref<128x64xf32, #tpu.memory_space<vmem>>) dst(%dma_wait3A_102 : memref<10000x64xf32, #tpu.memory_space<vmem_shared>>)
          tpu.yield
        }) : () -> ()
        %add3A_91 = arith.constant 2 : i32
        %add3A_92 = arith.addi %add3A_69, %add3A_91 : i32
        %lt3A_93 = arith.cmpi slt, %add3A_92, %add3A_10 : i32
        %convert_element_type3A_94 = arith.extui %lt3A_93 : i1 to i32
        %cond3A_95 = arith.constant 0 : i32
        %cond3A_96 = arith.cmpi ne, %convert_element_type3A_94, %cond3A_95 : i32
        scf.if %cond3A_96 {
          %add3A_97 = arith.constant 2 : i32
          %add3A_98 = arith.addi %add3A_70, %add3A_97 : i32
          %dma_start3A_99 = arith.constant 0 : i32
          %dma_start3A_100 = tpu.memref_slice %arg3[%add3A_98, %dma_start3A_99] : memref<2500x128xi32, #tpu.memory_space<hbm>> -> memref<1x128xi32, #tpu.memory_space<hbm>>
          %dma_start3A_101 = tpu.memref_squeeze %dma_start3A_100 : memref<1x128xi32, #tpu.memory_space<hbm>> -> memref<128xi32, #tpu.memory_space<hbm>>
          %dma_start3A_102 = arith.constant 0 : i32
          %dma_start3A_103 = tpu.memref_slice %arg3[%add3A_98, %dma_start3A_102] : memref<2500x128xi32, #tpu.memory_space<hbm>> -> memref<1x128xi32, #tpu.memory_space<hbm>>
          %dma_start3A_104 = tpu.memref_squeeze %dma_start3A_103 : memref<1x128xi32, #tpu.memory_space<hbm>> -> memref<128xi32, #tpu.memory_space<hbm>>
          tpu.enqueue_dma source(%dma_start3A_104 : memref<128xi32, #tpu.memory_space<hbm>>) target(%arg8 : memref<128xi32, #tpu.memory_space<vmem>>) target_semaphore(%arg15 : memref<!tpu.dma_semaphore, #tpu.memory_space<semaphore_mem>>)
          %add3A_105 = arith.constant 2 : i32
          %add3A_106 = arith.addi %add3A_70, %add3A_105 : i32
          %dma_start3A_107 = arith.constant 0 : i32
          %dma_start3A_108 = tpu.memref_slice %arg4[%add3A_106, %dma_start3A_107] : memref<2500x128xi32, #tpu.memory_space<hbm>> -> memref<1x128xi32, #tpu.memory_space<hbm>>
          %dma_start3A_109 = tpu.memref_squeeze %dma_start3A_108 : memref<1x128xi32, #tpu.memory_space<hbm>> -> memref<128xi32, #tpu.memory_space<hbm>>
          %dma_start3A_110 = arith.constant 0 : i32
          %dma_start3A_111 = tpu.memref_slice %arg4[%add3A_106, %dma_start3A_110] : memref<2500x128xi32, #tpu.memory_space<hbm>> -> memref<1x128xi32, #tpu.memory_space<hbm>>
          %dma_start3A_112 = tpu.memref_squeeze %dma_start3A_111 : memref<1x128xi32, #tpu.memory_space<hbm>> -> memref<128xi32, #tpu.memory_space<hbm>>
          tpu.enqueue_dma source(%dma_start3A_112 : memref<128xi32, #tpu.memory_space<hbm>>) target(%arg10 : memref<128xi32, #tpu.memory_space<vmem>>) target_semaphore(%arg17 : memref<!tpu.dma_semaphore, #tpu.memory_space<semaphore_mem>>)
        } else {
        }
      } else {
      }
      %scan3A_81 = arith.constant 0 : i32
      scf.yield %scan3A_81 : i32
    }
    %scan3A_51 = arith.constant 40 : i32
    %barrier3A_52 = arith.constant 0 : index
    tpu.barrier barrier_id(%barrier3A_52)
    "tpu.region"() ({
      %run_scoped3A = tpu.sem_alloc : memref<!tpu.dma_semaphore, #tpu.memory_space<semaphore_mem>>
      %dma_start3A_53 = arith.constant 0 : i32
      %dma_start3A_54 = tpu.memref_slice %arg6[%arg0, %mul3A_2, %dma_start3A_53] : memref<2x10000x64xf32, #tpu.memory_space<hbm>> -> memref<1x625x64xf32, #tpu.memory_space<hbm>>
      %dma_start3A_55 = tpu.memref_squeeze %dma_start3A_54 : memref<1x625x64xf32, #tpu.memory_space<hbm>> -> memref<625x64xf32, #tpu.memory_space<hbm>>
      %dma_start3A_56 = arith.constant 0 : i32
      %dma_start3A_57 = tpu.memref_slice %arg13[%mul3A_2, %dma_start3A_56] : memref<10000x64xf32, #tpu.memory_space<vmem_shared>> -> memref<625x64xf32, #tpu.memory_space<vmem_shared>>
      tpu.enqueue_dma source(%dma_start3A_57 : memref<625x64xf32, #tpu.memory_space<vmem_shared>>) target(%dma_start3A_55 : memref<625x64xf32, #tpu.memory_space<hbm>>) target_semaphore(%run_scoped3A : memref<!tpu.dma_semaphore, #tpu.memory_space<semaphore_mem>>)
      %dma_wait3A_58 = arith.constant 0 : i32
      %dma_wait3A_59 = tpu.memref_slice %arg6[%arg0, %mul3A_2, %dma_wait3A_58] : memref<2x10000x64xf32, #tpu.memory_space<hbm>> -> memref<1x625x64xf32, #tpu.memory_space<hbm>>
      %dma_wait3A_60 = tpu.memref_squeeze %dma_wait3A_59 : memref<1x625x64xf32, #tpu.memory_space<hbm>> -> memref<625x64xf32, #tpu.memory_space<hbm>>
      %dma_wait3A_61 = arith.constant 0 : i32
      %dma_wait3A_62 = tpu.memref_slice %arg13[%mul3A_2, %dma_wait3A_61] : memref<10000x64xf32, #tpu.memory_space<vmem_shared>> -> memref<625x64xf32, #tpu.memory_space<vmem_shared>>
      tpu.wait_dma2 semaphore(%run_scoped3A : memref<!tpu.dma_semaphore, #tpu.memory_space<semaphore_mem>>) src(%dma_wait3A_62 : memref<625x64xf32, #tpu.memory_space<vmem_shared>>) dst(%dma_wait3A_60 : memref<625x64xf32, #tpu.memory_space<hbm>>)
      tpu.yield
    }) : () -> ()
    return
  }
}

module attributes {stable_mosaic.version = 14 : i64} {
  func.func @_enc_body(%arg0: i32, %arg1: memref<2x2000x128xf32, #tpu.memory_space<vmem>>, %arg2: memref<2x2000x1xf32, #tpu.memory_space<vmem>>, %arg3: memref<2000x128xf32, #tpu.memory_space<vmem>>, %arg4: memref<128x64xf32, #tpu.memory_space<vmem>>, %arg5: memref<1x64xf32, #tpu.memory_space<vmem>>, %arg6: memref<2000x128xf32, #tpu.memory_space<vmem>>, %arg7: memref<2000x64xf32, #tpu.memory_space<vmem>>, %arg8: memref<2000x1xf32, #tpu.memory_space<vmem>>) attributes {dimension_semantics = [#tpu.dimension_semantics<arbitrary>], iteration_bounds = array<i64: 5>, scalar_prefetch = 0 : i64, scratch_operands = 0 : i64, tpu.core_type = #tpu.core_type<tc>, window_params = [{transform_indices = @transform_0, window_bounds = array<i64: 2, 2000, 128>}, {transform_indices = @transform_1, window_bounds = array<i64: 2, 2000, 1>}, {transform_indices = @transform_2, window_bounds = array<i64: 2000, 128>}, {pipeline_mode = #tpu.pipeline_mode<synchronous>, transform_indices = @transform_3, window_bounds = array<i64: 128, 64>}, {pipeline_mode = #tpu.pipeline_mode<synchronous>, transform_indices = @transform_4, window_bounds = array<i64: 1, 64>}, {transform_indices = @transform_5, window_bounds = array<i64: 2000, 128>}, {transform_indices = @transform_6, window_bounds = array<i64: 2000, 64>}, {transform_indices = @transform_7, window_bounds = array<i64: 2000, 1>}]} {
    %get3A = arith.constant 0 : index
    %get3A_0 = arith.constant 0 : index
    %get3A_1 = arith.constant 0 : index
    %get3A_2 = vector.load %arg2[%get3A, %get3A_0, %get3A_1] : memref<2x2000x1xf32, #tpu.memory_space<vmem>>, vector<1x2000x1xf32>
    %get3A_3 = vector.shape_cast %get3A_2 : vector<1x2000x1xf32> to vector<2000x1xf32>
    %get3A_4 = arith.constant 1 : index
    %get3A_5 = arith.constant 0 : index
    %get3A_6 = arith.constant 0 : index
    %get3A_7 = vector.load %arg2[%get3A_4, %get3A_5, %get3A_6] : memref<2x2000x1xf32, #tpu.memory_space<vmem>>, vector<1x2000x1xf32>
    %get3A_8 = vector.shape_cast %get3A_7 : vector<1x2000x1xf32> to vector<2000x1xf32>
    %add3A = arith.addf %get3A_3, %get3A_8 : vector<2000x1xf32>
    %add3A_9 = arith.constant 1.000000e+00 : f32
    %add3A_10 = vector.broadcast %add3A_9 : f32 to vector<2000x1xf32>
    %add3A_11 = arith.addf %add3A, %add3A_10 : vector<2000x1xf32>
    %div3A = arith.constant 1.000000e+00 : f32
    %div3A_12 = vector.broadcast %div3A : f32 to vector<2000x1xf32>
    %div3A_13 = arith.divf %div3A_12, %add3A_11 : vector<2000x1xf32>
    %get3A_14 = arith.constant 0 : index
    %get3A_15 = arith.constant 0 : index
    %get3A_16 = arith.constant 0 : index
    %get3A_17 = vector.load %arg1[%get3A_14, %get3A_15, %get3A_16] : memref<2x2000x128xf32, #tpu.memory_space<vmem>>, vector<1x2000x128xf32>
    %get3A_18 = vector.shape_cast %get3A_17 : vector<1x2000x128xf32> to vector<2000x128xf32>
    %get3A_19 = arith.constant 1 : index
    %get3A_20 = arith.constant 0 : index
    %get3A_21 = arith.constant 0 : index
    %get3A_22 = vector.load %arg1[%get3A_19, %get3A_20, %get3A_21] : memref<2x2000x128xf32, #tpu.memory_space<vmem>>, vector<1x2000x128xf32>
    %get3A_23 = vector.shape_cast %get3A_22 : vector<1x2000x128xf32> to vector<2000x128xf32>
    %add3A_24 = arith.addf %get3A_18, %get3A_23 : vector<2000x128xf32>
    %get3A_25 = arith.constant 0 : index
    %get3A_26 = arith.constant 0 : index
    %get3A_27 = vector.load %arg3[%get3A_25, %get3A_26] : memref<2000x128xf32, #tpu.memory_space<vmem>>, vector<2000x128xf32>
    %add3A_28 = arith.addf %add3A_24, %get3A_27 : vector<2000x128xf32>
    %mul3A = vector.broadcast %div3A_13 : vector<2000x1xf32> to vector<2000x128xf32>
    %mul3A_29 = arith.mulf %add3A_28, %mul3A : vector<2000x128xf32>
    %swap3A = arith.constant 0 : index
    %swap3A_30 = arith.constant 0 : index
    %swap3A_31 = vector.load %arg6[%swap3A, %swap3A_30] : memref<2000x128xf32, #tpu.memory_space<vmem>>, vector<2000x128xf32>
    tpu.vector_store %arg6[%swap3A, %swap3A_30], %mul3A_29 {strides = array<i32>} : memref<2000x128xf32, #tpu.memory_space<vmem>>, vector<2000x128xf32>,
    %get3A_32 = arith.constant 0 : index
    %get3A_33 = arith.constant 0 : index
    %get3A_34 = vector.load %arg4[%get3A_32, %get3A_33] : memref<128x64xf32, #tpu.memory_space<vmem>>, vector<128x64xf32>
    %dot_general3A = arith.constant dense<0.000000e+00> : vector<2000x64xf32>
    %dot_general3A_35 = tpu.matmul %mul3A_29, %get3A_34, %dot_general3A {dimension_numbers = #tpu.dot_dimension_numbers<[1], [0], [0], [1], [0, 0, 1, 1], [], []>, transpose_lhs_hint = false} : vector<2000x128xf32>, vector<128x64xf32>, vector<2000x64xf32> -> vector<2000x64xf32>
    %get3A_36 = arith.constant 0 : index
    %get3A_37 = arith.constant 0 : index
    %get3A_38 = vector.load %arg5[%get3A_36, %get3A_37] : memref<1x64xf32, #tpu.memory_space<vmem>>, vector<1x64xf32>
    %add3A_39 = vector.broadcast %get3A_38 : vector<1x64xf32> to vector<2000x64xf32>
    %add3A_40 = arith.addf %dot_general3A_35, %add3A_39 : vector<2000x64xf32>
    %max3A = arith.constant 0.000000e+00 : f32
    %max3A_41 = vector.broadcast %max3A : f32 to vector<2000x64xf32>
    %max3A_42 = arith.maximumf %add3A_40, %max3A_41 : vector<2000x64xf32>
    %swap3A_43 = arith.constant 0 : index
    %swap3A_44 = arith.constant 0 : index
    %swap3A_45 = vector.load %arg7[%swap3A_43, %swap3A_44] : memref<2000x64xf32, #tpu.memory_space<vmem>>, vector<2000x64xf32>
    tpu.vector_store %arg7[%swap3A_43, %swap3A_44], %max3A_42 {strides = array<i32>} : memref<2000x64xf32, #tpu.memory_space<vmem>>, vector<2000x64xf32>,
    %swap3A_46 = arith.constant 0 : index
    %swap3A_47 = arith.constant 0 : index
    %swap3A_48 = vector.load %arg8[%swap3A_46, %swap3A_47] : memref<2000x1xf32, #tpu.memory_space<vmem>>, vector<2000x1xf32>
    tpu.vector_store %arg8[%swap3A_46, %swap3A_47], %div3A_13 {strides = array<i32>} : memref<2000x1xf32, #tpu.memory_space<vmem>>, vector<2000x1xf32>,
    return
  }
  func.func @transform_0(%arg0: i32) -> (i32, i32, i32) {
    %c0_i32 = arith.constant 0 : i32
    %c0_i32_0 = arith.constant 0 : i32
    %c0_i32_1 = arith.constant 0 : i32
    return %c0_i32, %arg0, %c0_i32_0 : i32, i32, i32
  }
  func.func @transform_1(%arg0: i32) -> (i32, i32, i32) {
    %c0_i32 = arith.constant 0 : i32
    %c0_i32_0 = arith.constant 0 : i32
    %c0_i32_1 = arith.constant 0 : i32
    return %c0_i32, %arg0, %c0_i32_0 : i32, i32, i32
  }
  func.func @transform_2(%arg0: i32) -> (i32, i32) {
    %c0_i32 = arith.constant 0 : i32
    %c0_i32_0 = arith.constant 0 : i32
    return %arg0, %c0_i32 : i32, i32
  }
  func.func @transform_3(%arg0: i32) -> (i32, i32) {
    %c0_i32 = arith.constant 0 : i32
    %c0_i32_0 = arith.constant 0 : i32
    %c0_i32_1 = arith.constant 0 : i32
    return %c0_i32, %c0_i32_0 : i32, i32
  }
  func.func @transform_4(%arg0: i32) -> (i32, i32) {
    %c0_i32 = arith.constant 0 : i32
    %c0_i32_0 = arith.constant 0 : i32
    %c0_i32_1 = arith.constant 0 : i32
    return %c0_i32, %c0_i32_0 : i32, i32
  }
  func.func @transform_5(%arg0: i32) -> (i32, i32) {
    %c0_i32 = arith.constant 0 : i32
    %c0_i32_0 = arith.constant 0 : i32
    return %arg0, %c0_i32 : i32, i32
  }
  func.func @transform_6(%arg0: i32) -> (i32, i32) {
    %c0_i32 = arith.constant 0 : i32
    %c0_i32_0 = arith.constant 0 : i32
    return %arg0, %c0_i32 : i32, i32
  }
  func.func @transform_7(%arg0: i32) -> (i32, i32) {
    %c0_i32 = arith.constant 0 : i32
    %c0_i32_0 = arith.constant 0 : i32
    return %arg0, %c0_i32 : i32, i32
  }
}

module attributes {stable_mosaic.version = 14 : i64} {
  func.func @_deca_body(%arg0: i32, %arg1: memref<2000x64xf32, #tpu.memory_space<vmem>>, %arg2: memref<2000x128xf32, #tpu.memory_space<vmem>>, %arg3: memref<64x128xf32, #tpu.memory_space<vmem>>, %arg4: memref<1x128xf32, #tpu.memory_space<vmem>>, %arg5: memref<128x128xf32, #tpu.memory_space<vmem>>, %arg6: memref<1x128xf32, #tpu.memory_space<vmem>>, %arg7: memref<5x2000xf32, #tpu.memory_space<vmem>>) attributes {dimension_semantics = [#tpu.dimension_semantics<arbitrary>], iteration_bounds = array<i64: 5>, scalar_prefetch = 0 : i64, scratch_operands = 0 : i64, tpu.core_type = #tpu.core_type<tc>, window_params = [{transform_indices = @transform_0, window_bounds = array<i64: 2000, 64>}, {transform_indices = @transform_1, window_bounds = array<i64: 2000, 128>}, {pipeline_mode = #tpu.pipeline_mode<synchronous>, transform_indices = @transform_2, window_bounds = array<i64: 64, 128>}, {pipeline_mode = #tpu.pipeline_mode<synchronous>, transform_indices = @transform_3, window_bounds = array<i64: 1, 128>}, {pipeline_mode = #tpu.pipeline_mode<synchronous>, transform_indices = @transform_4, window_bounds = array<i64: 128, 128>}, {pipeline_mode = #tpu.pipeline_mode<synchronous>, transform_indices = @transform_5, window_bounds = array<i64: 1, 128>}, {pipeline_mode = #tpu.pipeline_mode<synchronous>, transform_indices = @transform_6, window_bounds = array<i64: 5, 2000>}]} {
    %get3A = arith.constant 0 : index
    %get3A_0 = arith.constant 0 : index
    %get3A_1 = vector.load %arg1[%get3A, %get3A_0] : memref<2000x64xf32, #tpu.memory_space<vmem>>, vector<2000x64xf32>
    %get3A_2 = arith.constant 0 : index
    %get3A_3 = arith.constant 0 : index
    %get3A_4 = vector.load %arg3[%get3A_2, %get3A_3] : memref<64x128xf32, #tpu.memory_space<vmem>>, vector<64x128xf32>
    %dot_general3A = arith.constant dense<0.000000e+00> : vector<2000x128xf32>
    %dot_general3A_5 = tpu.matmul %get3A_1, %get3A_4, %dot_general3A {dimension_numbers = #tpu.dot_dimension_numbers<[1], [0], [0], [1], [0, 0, 1, 1], [], []>, transpose_lhs_hint = false} : vector<2000x64xf32>, vector<64x128xf32>, vector<2000x128xf32> -> vector<2000x128xf32>
    %get3A_6 = arith.constant 0 : index
    %get3A_7 = arith.constant 0 : index
    %get3A_8 = vector.load %arg4[%get3A_6, %get3A_7] : memref<1x128xf32, #tpu.memory_space<vmem>>, vector<1x128xf32>
    %add3A = vector.broadcast %get3A_8 : vector<1x128xf32> to vector<2000x128xf32>
    %add3A_9 = arith.addf %dot_general3A_5, %add3A : vector<2000x128xf32>
    %max3A = arith.constant 0.000000e+00 : f32
    %max3A_10 = vector.broadcast %max3A : f32 to vector<2000x128xf32>
    %max3A_11 = arith.maximumf %add3A_9, %max3A_10 : vector<2000x128xf32>
    %get3A_12 = arith.constant 0 : index
    %get3A_13 = arith.constant 0 : index
    %get3A_14 = vector.load %arg5[%get3A_12, %get3A_13] : memref<128x128xf32, #tpu.memory_space<vmem>>, vector<128x128xf32>
    %dot_general3A_15 = arith.constant dense<0.000000e+00> : vector<2000x128xf32>
    %dot_general3A_16 = tpu.matmul %max3A_11, %get3A_14, %dot_general3A_15 {dimension_numbers = #tpu.dot_dimension_numbers<[1], [0], [0], [1], [0, 0, 1, 1], [], []>, transpose_lhs_hint = false} : vector<2000x128xf32>, vector<128x128xf32>, vector<2000x128xf32> -> vector<2000x128xf32>
    %get3A_17 = arith.constant 0 : index
    %get3A_18 = arith.constant 0 : index
    %get3A_19 = vector.load %arg6[%get3A_17, %get3A_18] : memref<1x128xf32, #tpu.memory_space<vmem>>, vector<1x128xf32>
    %add3A_20 = vector.broadcast %get3A_19 : vector<1x128xf32> to vector<2000x128xf32>
    %add3A_21 = arith.addf %dot_general3A_16, %add3A_20 : vector<2000x128xf32>
    %get3A_22 = arith.constant 0 : index
    %get3A_23 = arith.constant 0 : index
    %get3A_24 = vector.load %arg2[%get3A_22, %get3A_23] : memref<2000x128xf32, #tpu.memory_space<vmem>>, vector<2000x128xf32>
    %sub3A = arith.subf %add3A_21, %get3A_24 : vector<2000x128xf32>
    %mul3A = arith.mulf %sub3A, %sub3A : vector<2000x128xf32>
    %broadcast_in_dim3A = arith.constant 1.000000e+00 : f32
    %broadcast_in_dim3A_25 = vector.broadcast %broadcast_in_dim3A : f32 to vector<1x128xf32>
    %dot_general3A_26 = arith.constant dense<0.000000e+00> : vector<1x2000xf32>
    %dot_general3A_27 = tpu.matmul %broadcast_in_dim3A_25, %mul3A, %dot_general3A_26 {dimension_numbers = #tpu.dot_dimension_numbers<[1], [1], [0], [0], [0, 0, 1, 0], [], []>, precision = #tpu.contract_precision<fp32>, transpose_lhs_hint = false} : vector<1x128xf32>, vector<2000x128xf32>, vector<1x2000xf32> -> vector<1x2000xf32>
    %add3A_28 = arith.constant 9.99999996E-13 : f32
    %add3A_29 = vector.broadcast %add3A_28 : f32 to vector<1x2000xf32>
    %add3A_30 = arith.addf %dot_general3A_27, %add3A_29 : vector<1x2000xf32>
    %sqrt3A = math.sqrt %add3A_30 : vector<1x2000xf32>
    %swap3A = arith.index_cast %arg0 : i32 to index
    %swap3A_31 = arith.constant 0 : index
    %swap3A_32 = vector.load %arg7[%swap3A, %swap3A_31] : memref<5x2000xf32, #tpu.memory_space<vmem>>, vector<1x2000xf32>
    tpu.vector_store %arg7[%swap3A, %swap3A_31], %sqrt3A {strides = array<i32>} : memref<5x2000xf32, #tpu.memory_space<vmem>>, vector<1x2000xf32>,
    return
  }
  func.func @transform_0(%arg0: i32) -> (i32, i32) {
    %c0_i32 = arith.constant 0 : i32
    %c0_i32_0 = arith.constant 0 : i32
    return %arg0, %c0_i32 : i32, i32
  }
  func.func @transform_1(%arg0: i32) -> (i32, i32) {
    %c0_i32 = arith.constant 0 : i32
    %c0_i32_0 = arith.constant 0 : i32
    return %arg0, %c0_i32 : i32, i32
  }
  func.func @transform_2(%arg0: i32) -> (i32, i32) {
    %c0_i32 = arith.constant 0 : i32
    %c0_i32_0 = arith.constant 0 : i32
    %c0_i32_1 = arith.constant 0 : i32
    return %c0_i32, %c0_i32_0 : i32, i32
  }
  func.func @transform_3(%arg0: i32) -> (i32, i32) {
    %c0_i32 = arith.constant 0 : i32
    %c0_i32_0 = arith.constant 0 : i32
    %c0_i32_1 = arith.constant 0 : i32
    return %c0_i32, %c0_i32_0 : i32, i32
  }
  func.func @transform_4(%arg0: i32) -> (i32, i32) {
    %c0_i32 = arith.constant 0 : i32
    %c0_i32_0 = arith.constant 0 : i32
    %c0_i32_1 = arith.constant 0 : i32
    return %c0_i32, %c0_i32_0 : i32, i32
  }
  func.func @transform_5(%arg0: i32) -> (i32, i32) {
    %c0_i32 = arith.constant 0 : i32
    %c0_i32_0 = arith.constant 0 : i32
    %c0_i32_1 = arith.constant 0 : i32
    return %c0_i32, %c0_i32_0 : i32, i32
  }
  func.func @transform_6(%arg0: i32) -> (i32, i32) {
    %c0_i32 = arith.constant 0 : i32
    %c0_i32_0 = arith.constant 0 : i32
    %c0_i32_1 = arith.constant 0 : i32
    return %c0_i32, %c0_i32_0 : i32, i32
  }
}

module attributes {stable_mosaic.version = 14 : i64} {
  func.func @_decb_body(%arg0: i32, %arg1: memref<2x2000x64xf32, #tpu.memory_space<vmem>>, %arg2: memref<2000x64xf32, #tpu.memory_space<vmem>>, %arg3: memref<2000x128xf32, #tpu.memory_space<vmem>>, %arg4: memref<2000x128xf32, #tpu.memory_space<vmem>>, %arg5: memref<2000x1xf32, #tpu.memory_space<vmem>>, %arg6: memref<5x2000xf32, #tpu.memory_space<vmem>>, %arg7: memref<64x128xf32, #tpu.memory_space<vmem>>, %arg8: memref<1x128xf32, #tpu.memory_space<vmem>>, %arg9: memref<128x128xf32, #tpu.memory_space<vmem>>, %arg10: memref<1x128xf32, #tpu.memory_space<vmem>>, %arg11: memref<5x2000xf32, #tpu.memory_space<vmem>>, %arg12: memref<5x2000xf32, #tpu.memory_space<vmem>>, %arg13: memref<5x2000xf32, #tpu.memory_space<vmem>>) attributes {dimension_semantics = [#tpu.dimension_semantics<arbitrary>], iteration_bounds = array<i64: 5>, scalar_prefetch = 0 : i64, scratch_operands = 0 : i64, tpu.core_type = #tpu.core_type<tc>, window_params = [{transform_indices = @transform_0, window_bounds = array<i64: 2, 2000, 64>}, {transform_indices = @transform_1, window_bounds = array<i64: 2000, 64>}, {transform_indices = @transform_2, window_bounds = array<i64: 2000, 128>}, {transform_indices = @transform_3, window_bounds = array<i64: 2000, 128>}, {transform_indices = @transform_4, window_bounds = array<i64: 2000, 1>}, {pipeline_mode = #tpu.pipeline_mode<synchronous>, transform_indices = @transform_5, window_bounds = array<i64: 5, 2000>}, {pipeline_mode = #tpu.pipeline_mode<synchronous>, transform_indices = @transform_6, window_bounds = array<i64: 64, 128>}, {pipeline_mode = #tpu.pipeline_mode<synchronous>, transform_indices = @transform_7, window_bounds = array<i64: 1, 128>}, {pipeline_mode = #tpu.pipeline_mode<synchronous>, transform_indices = @transform_8, window_bounds = array<i64: 128, 128>}, {pipeline_mode = #tpu.pipeline_mode<synchronous>, transform_indices = @transform_9, window_bounds = array<i64: 1, 128>}, {pipeline_mode = #tpu.pipeline_mode<synchronous>, transform_indices = @transform_10, window_bounds = array<i64: 5, 2000>}, {pipeline_mode = #tpu.pipeline_mode<synchronous>, transform_indices = @transform_11, window_bounds = array<i64: 5, 2000>}, {pipeline_mode = #tpu.pipeline_mode<synchronous>, transform_indices = @transform_12, window_bounds = array<i64: 5, 2000>}]} {
    %get3A = arith.constant 0 : index
    %get3A_0 = arith.constant 0 : index
    %get3A_1 = arith.constant 0 : index
    %get3A_2 = vector.load %arg1[%get3A, %get3A_0, %get3A_1] : memref<2x2000x64xf32, #tpu.memory_space<vmem>>, vector<1x2000x64xf32>
    %get3A_3 = vector.shape_cast %get3A_2 : vector<1x2000x64xf32> to vector<2000x64xf32>
    %get3A_4 = arith.constant 1 : index
    %get3A_5 = arith.constant 0 : index
    %get3A_6 = arith.constant 0 : index
    %get3A_7 = vector.load %arg1[%get3A_4, %get3A_5, %get3A_6] : memref<2x2000x64xf32, #tpu.memory_space<vmem>>, vector<1x2000x64xf32>
    %get3A_8 = vector.shape_cast %get3A_7 : vector<1x2000x64xf32> to vector<2000x64xf32>
    %add3A = arith.addf %get3A_3, %get3A_8 : vector<2000x64xf32>
    %get3A_9 = arith.constant 0 : index
    %get3A_10 = arith.constant 0 : index
    %get3A_11 = vector.load %arg2[%get3A_9, %get3A_10] : memref<2000x64xf32, #tpu.memory_space<vmem>>, vector<2000x64xf32>
    %add3A_12 = arith.addf %add3A, %get3A_11 : vector<2000x64xf32>
    %get3A_13 = arith.constant 0 : index
    %get3A_14 = arith.constant 0 : index
    %get3A_15 = vector.load %arg5[%get3A_13, %get3A_14] : memref<2000x1xf32, #tpu.memory_space<vmem>>, vector<2000x1xf32>
    %mul3A = vector.broadcast %get3A_15 : vector<2000x1xf32> to vector<2000x64xf32>
    %mul3A_16 = arith.mulf %add3A_12, %mul3A : vector<2000x64xf32>
    %get3A_17 = arith.constant 0 : index
    %get3A_18 = arith.constant 0 : index
    %get3A_19 = vector.load %arg7[%get3A_17, %get3A_18] : memref<64x128xf32, #tpu.memory_space<vmem>>, vector<64x128xf32>
    %dot_general3A = arith.constant dense<0.000000e+00> : vector<2000x128xf32>
    %dot_general3A_20 = tpu.matmul %mul3A_16, %get3A_19, %dot_general3A {dimension_numbers = #tpu.dot_dimension_numbers<[1], [0], [0], [1], [0, 0, 1, 1], [], []>, transpose_lhs_hint = false} : vector<2000x64xf32>, vector<64x128xf32>, vector<2000x128xf32> -> vector<2000x128xf32>
    %get3A_21 = arith.constant 0 : index
    %get3A_22 = arith.constant 0 : index
    %get3A_23 = vector.load %arg8[%get3A_21, %get3A_22] : memref<1x128xf32, #tpu.memory_space<vmem>>, vector<1x128xf32>
    %add3A_24 = vector.broadcast %get3A_23 : vector<1x128xf32> to vector<2000x128xf32>
    %add3A_25 = arith.addf %dot_general3A_20, %add3A_24 : vector<2000x128xf32>
    %max3A = arith.constant 0.000000e+00 : f32
    %max3A_26 = vector.broadcast %max3A : f32 to vector<2000x128xf32>
    %max3A_27 = arith.maximumf %add3A_25, %max3A_26 : vector<2000x128xf32>
    %get3A_28 = arith.constant 0 : index
    %get3A_29 = arith.constant 0 : index
    %get3A_30 = vector.load %arg9[%get3A_28, %get3A_29] : memref<128x128xf32, #tpu.memory_space<vmem>>, vector<128x128xf32>
    %dot_general3A_31 = arith.constant dense<0.000000e+00> : vector<2000x128xf32>
    %dot_general3A_32 = tpu.matmul %max3A_27, %get3A_30, %dot_general3A_31 {dimension_numbers = #tpu.dot_dimension_numbers<[1], [0], [0], [1], [0, 0, 1, 1], [], []>, transpose_lhs_hint = false} : vector<2000x128xf32>, vector<128x128xf32>, vector<2000x128xf32> -> vector<2000x128xf32>
    %get3A_33 = arith.constant 0 : index
    %get3A_34 = arith.constant 0 : index
    %get3A_35 = vector.load %arg10[%get3A_33, %get3A_34] : memref<1x128xf32, #tpu.memory_space<vmem>>, vector<1x128xf32>
    %add3A_36 = vector.broadcast %get3A_35 : vector<1x128xf32> to vector<2000x128xf32>
    %add3A_37 = arith.addf %dot_general3A_32, %add3A_36 : vector<2000x128xf32>
    %get3A_38 = arith.constant 0 : index
    %get3A_39 = arith.constant 0 : index
    %get3A_40 = vector.load %arg3[%get3A_38, %get3A_39] : memref<2000x128xf32, #tpu.memory_space<vmem>>, vector<2000x128xf32>
    %get3A_41 = arith.index_cast %arg0 : i32 to index
    %get3A_42 = arith.constant 0 : index
    %get3A_43 = vector.load %arg6[%get3A_41, %get3A_42] : memref<5x2000xf32, #tpu.memory_space<vmem>>, vector<1x2000xf32>
    %get3A_44 = arith.constant 0 : index
    %get3A_45 = arith.constant 0 : index
    %get3A_46 = vector.load %arg4[%get3A_44, %get3A_45] : memref<2000x128xf32, #tpu.memory_space<vmem>>, vector<2000x128xf32>
    %sub3A = arith.subf %add3A_37, %get3A_46 : vector<2000x128xf32>
    %sub3A_47 = arith.subf %add3A_37, %get3A_40 : vector<2000x128xf32>
    %mul3A_48 = arith.mulf %sub3A, %sub3A : vector<2000x128xf32>
    %broadcast_in_dim3A = arith.constant 1.000000e+00 : f32
    %broadcast_in_dim3A_49 = vector.broadcast %broadcast_in_dim3A : f32 to vector<1x128xf32>
    %dot_general3A_50 = arith.constant dense<0.000000e+00> : vector<1x2000xf32>
    %dot_general3A_51 = tpu.matmul %broadcast_in_dim3A_49, %mul3A_48, %dot_general3A_50 {dimension_numbers = #tpu.dot_dimension_numbers<[1], [1], [0], [0], [0, 0, 1, 0], [], []>, precision = #tpu.contract_precision<fp32>, transpose_lhs_hint = false} : vector<1x128xf32>, vector<2000x128xf32>, vector<1x2000xf32> -> vector<1x2000xf32>
    %add3A_52 = arith.constant 9.99999996E-13 : f32
    %add3A_53 = vector.broadcast %add3A_52 : f32 to vector<1x2000xf32>
    %add3A_54 = arith.addf %dot_general3A_51, %add3A_53 : vector<1x2000xf32>
    %sqrt3A = math.sqrt %add3A_54 : vector<1x2000xf32>
    %mul3A_55 = arith.mulf %sub3A_47, %sub3A_47 : vector<2000x128xf32>
    %broadcast_in_dim3A_56 = arith.constant 1.000000e+00 : f32
    %broadcast_in_dim3A_57 = vector.broadcast %broadcast_in_dim3A_56 : f32 to vector<1x128xf32>
    %dot_general3A_58 = arith.constant dense<0.000000e+00> : vector<1x2000xf32>
    %dot_general3A_59 = tpu.matmul %broadcast_in_dim3A_57, %mul3A_55, %dot_general3A_58 {dimension_numbers = #tpu.dot_dimension_numbers<[1], [1], [0], [0], [0, 0, 1, 0], [], []>, precision = #tpu.contract_precision<fp32>, transpose_lhs_hint = false} : vector<1x128xf32>, vector<2000x128xf32>, vector<1x2000xf32> -> vector<1x2000xf32>
    %add3A_60 = arith.constant 9.99999996E-13 : f32
    %add3A_61 = vector.broadcast %add3A_60 : f32 to vector<1x2000xf32>
    %add3A_62 = arith.addf %dot_general3A_59, %add3A_61 : vector<1x2000xf32>
    %sqrt3A_63 = math.sqrt %add3A_62 : vector<1x2000xf32>
    %add3A_64 = arith.addf %get3A_43, %sqrt3A : vector<1x2000xf32>
    %mul3A_65 = arith.constant 5.000000e-01 : f32
    %mul3A_66 = vector.broadcast %mul3A_65 : f32 to vector<1x2000xf32>
    %mul3A_67 = arith.mulf %mul3A_66, %sqrt3A_63 : vector<1x2000xf32>
    %add3A_68 = arith.addf %add3A_64, %mul3A_67 : vector<1x2000xf32>
    %swap3A = arith.index_cast %arg0 : i32 to index
    %swap3A_69 = arith.constant 0 : index
    %swap3A_70 = vector.load %arg11[%swap3A, %swap3A_69] : memref<5x2000xf32, #tpu.memory_space<vmem>>, vector<1x2000xf32>
    tpu.vector_store %arg11[%swap3A, %swap3A_69], %add3A_68 {strides = array<i32>} : memref<5x2000xf32, #tpu.memory_space<vmem>>, vector<1x2000xf32>,
    %swap3A_71 = arith.index_cast %arg0 : i32 to index
    %swap3A_72 = arith.constant 0 : index
    %swap3A_73 = vector.load %arg12[%swap3A_71, %swap3A_72] : memref<5x2000xf32, #tpu.memory_space<vmem>>, vector<1x2000xf32>
    tpu.vector_store %arg12[%swap3A_71, %swap3A_72], %get3A_43 {strides = array<i32>} : memref<5x2000xf32, #tpu.memory_space<vmem>>, vector<1x2000xf32>,
    %swap3A_74 = arith.index_cast %arg0 : i32 to index
    %swap3A_75 = arith.constant 0 : index
    %swap3A_76 = vector.load %arg13[%swap3A_74, %swap3A_75] : memref<5x2000xf32, #tpu.memory_space<vmem>>, vector<1x2000xf32>
    tpu.vector_store %arg13[%swap3A_74, %swap3A_75], %sqrt3A {strides = array<i32>} : memref<5x2000xf32, #tpu.memory_space<vmem>>, vector<1x2000xf32>,
    return
  }
  func.func @transform_0(%arg0: i32) -> (i32, i32, i32) {
    %c0_i32 = arith.constant 0 : i32
    %c0_i32_0 = arith.constant 0 : i32
    %c0_i32_1 = arith.constant 0 : i32
    return %c0_i32, %arg0, %c0_i32_0 : i32, i32, i32
  }
  func.func @transform_1(%arg0: i32) -> (i32, i32) {
    %c0_i32 = arith.constant 0 : i32
    %c0_i32_0 = arith.constant 0 : i32
    return %arg0, %c0_i32 : i32, i32
  }
  func.func @transform_2(%arg0: i32) -> (i32, i32) {
    %c0_i32 = arith.constant 0 : i32
    %c0_i32_0 = arith.constant 0 : i32
    return %arg0, %c0_i32 : i32, i32
  }
  func.func @transform_3(%arg0: i32) -> (i32, i32) {
    %c0_i32 = arith.constant 0 : i32
    %c0_i32_0 = arith.constant 0 : i32
    return %arg0, %c0_i32 : i32, i32
  }
  func.func @transform_4(%arg0: i32) -> (i32, i32) {
    %c0_i32 = arith.constant 0 : i32
    %c0_i32_0 = arith.constant 0 : i32
    return %arg0, %c0_i32 : i32, i32
  }
  func.func @transform_5(%arg0: i32) -> (i32, i32) {
    %c0_i32 = arith.constant 0 : i32
    %c0_i32_0 = arith.constant 0 : i32
    %c0_i32_1 = arith.constant 0 : i32
    return %c0_i32, %c0_i32_0 : i32, i32
  }
  func.func @transform_6(%arg0: i32) -> (i32, i32) {
    %c0_i32 = arith.constant 0 : i32
    %c0_i32_0 = arith.constant 0 : i32
    %c0_i32_1 = arith.constant 0 : i32
    return %c0_i32, %c0_i32_0 : i32, i32
  }
  func.func @transform_7(%arg0: i32) -> (i32, i32) {
    %c0_i32 = arith.constant 0 : i32
    %c0_i32_0 = arith.constant 0 : i32
    %c0_i32_1 = arith.constant 0 : i32
    return %c0_i32, %c0_i32_0 : i32, i32
  }
  func.func @transform_8(%arg0: i32) -> (i32, i32) {
    %c0_i32 = arith.constant 0 : i32
    %c0_i32_0 = arith.constant 0 : i32
    %c0_i32_1 = arith.constant 0 : i32
    return %c0_i32, %c0_i32_0 : i32, i32
  }
  func.func @transform_9(%arg0: i32) -> (i32, i32) {
    %c0_i32 = arith.constant 0 : i32
    %c0_i32_0 = arith.constant 0 : i32
    %c0_i32_1 = arith.constant 0 : i32
    return %c0_i32, %c0_i32_0 : i32, i32
  }
  func.func @transform_10(%arg0: i32) -> (i32, i32) {
    %c0_i32 = arith.constant 0 : i32
    %c0_i32_0 = arith.constant 0 : i32
    %c0_i32_1 = arith.constant 0 : i32
    return %c0_i32, %c0_i32_0 : i32, i32
  }
  func.func @transform_11(%arg0: i32) -> (i32, i32) {
    %c0_i32 = arith.constant 0 : i32
    %c0_i32_0 = arith.constant 0 : i32
    %c0_i32_1 = arith.constant 0 : i32
    return %c0_i32, %c0_i32_0 : i32, i32
  }
  func.func @transform_12(%arg0: i32) -> (i32, i32) {
    %c0_i32 = arith.constant 0 : i32
    %c0_i32_0 = arith.constant 0 : i32
    %c0_i32_1 = arith.constant 0 : i32
    return %c0_i32, %c0_i32_0 : i32, i32
  }
}

</mosaic_0001>

<sc_bundles>
// kernel: kernel.10.cloned.1.call-start
scs
__scs_entry_jumppad:
0x0: {  	(pc) =	sbr.rel $0x88, $3  }
0x1: {  	(tag) =	ssettag $0x0;
	lr =	simm.s32 $0x1  }
0x2: {  	[smem:$0x3F95] =	sst lr;
	_ =	strace $0xD0000000  }
0x3: {  	_ = 	snop  }
0x4: {  	_ = 	snop  }
0x5: {  	_ = 	snop  }
0x6: {  	_ = 	snop  }
0x7: {  	_ = 	snop  }
__scs_overlays_trampoline_lowered:
0x8: {  	[smem:$0x3FA4] =	sst s0  }
0x9: {  	[smem:$0x3FA5] =	sst s1  }
0xa: {  	[smem:$0x3FA6] =	sst s2  }
0xb: {  	[smem:$0x3FA7] =	sst s3  }
0xc: {  	[smem:$0x3FA8] =	sst s4  }
0xd: {  	[smem:$0x3FA9] =	sst s5  }
0xe: {  	[smem:$0x3FAA] =	sst s6  }
0xf: {  	[smem:$0x3FAB] =	sst s7  }
0x10: {  	[smem:$0x3FAC] =	sst s8  }
0x11: {  	[smem:$0x3FAD] =	sst s9;
	s0 =	simm.s32 @!p0 $0x0  }
0x12: {  	s1 =	sld [smem:$0x3F93];
	s0 =	simm.s32 @p0 $0x1  }
0x13: {  	[smem:$0x3FAE] =	sst s0;
	s0 =	simm.s32 @!p1 $0x0  }
0x14: {  	s2 =	sld [smem:$0x3F92];
	s0 =	simm.s32 @p1 $0x1  }
0x15: {  	[smem:$0x3FAF] =	sst s0;
	s0 =	simm.s32 @!p2 $0x0  }
0x16: {  	s3 =	sld [smem:$0x3FDB];
	s0 =	simm.s32 @p2 $0x1  }
0x17: {  	s4 =	simm.s32 $0x1BF5;
	[smem:$0x3FB1] =	sst s0  }
0x18: {  	s0 =	sld [smem:$0x3F94];
	_ =	swait.ge [sflag:s4], $0x0  }
0x19: {  	s7 =	sld [smem:$0x3F95]  }
0x1a: {  	s8 =	sadd.s32 $0xFFFFE003, lr  }
0x1b: {  	s9 =	sadd.s32 $0xFFFFFEF7, lr;
	s5 =	simm.s32 $0xFFFFFFFF;
	p2 =	slt.u32 s8, $0xFFFFF086  }
0x1c: {  	p1 =	slt.u32 s9, $0xF7A;
	s5 =	simm.s32 @!p2 $0x0  }
0x1d: {  	s5 =	simm.s32 @p1 $0x1;
	p0 =	seq.s32 s7, s2  }
0x1e: {  	s7 =	smul.u32 @!p0 $0xF7A, s2;
	p2 =	seq.s32 @!p0 s5, $0x0  }
0x1f: {  	s9 =	smul.u32 $0xF7A, s1;
	s8 =	simm.s32 @!p0 $0x1BF5;
	p2 =	por !p2, p0  }
0x20: {  	[sflag:s8] =	ssyncset.s32 @!p0 $0xFFFFF086;
	s6 =	sadd.s32 @!p0 s3, s7;
	s7 =	simm.s32 @!p0 $0x108  }
0x21: {  	s3 =	sadd.s32 s3, s9;
	s6 =	sadd.s32 @!p0 $0x88, s6;
	s7 =	simm.s32 @p2 $0x1082  }
0x22: {  	[simem:s7], [sflag:s8] =	dma.local @!p0 [hbm:s6], $0xF7A  }
0x23: {  	s9 =	sor.u32 $0xD0000000, s2;
	s6 =	simm.s32 $0x108;
	_ =	swait.ge @!p0 [sflag:s8], $0x0  }
0x24: {  	s3 =	sadd.s32 $0x88, s3;
	s6 =	simm.s32 @!p1 $0x1082;
	[sflag:s4] =	ssyncset.s32 $0xFFFFF086  }
0x25: {  	[simem:s6], [sflag:s4] =	dma.local [hbm:s3], $0xF7A  }
0x26: {  	[smem:$0x3F95] =	sst s1;
	(tag) =	ssettag s2;
	_ =	strace s9  }
0x27: {  	s1 =	sld [smem:$0x3FA5]  }
0x28: {  	s2 =	sld [smem:$0x3FA6]  }
0x29: {  	s4 =	sld [smem:$0x3FA8]  }
0x2a: {  	p0 =	seq.s32 s5, $0x0;
	s5 =	sld [smem:$0x3FA9]  }
0x2b: {  	s6 =	sld [smem:$0x3FAA]  }
0x2c: {  	s7 =	sld [smem:$0x3FAB]  }
0x2d: {  	s3 =	simm.s32 $0x108;
	s8 =	sld [smem:$0x3FAC]  }
0x2e: {  	s3 =	simm.s32 @!p0 $0x1082;
	s9 =	sld [smem:$0x3FAD]  }
0x2f: {  	lr =	sadd.s32 s0, s3;
	s0 =	sld [smem:$0x3FA4]  }
0x30: {  	s3 =	sld [smem:$0x3FA7]  }
0x31: {  	[smem:$0x3FB0] =	sst s10  }
0x32: {  	s10 =	sld [smem:$0x3FAE];
	_ =	sdelay $0x3  }
0x33: {  	p0 =	seq.s32 s10, $0x1;
	s10 =	sld [smem:$0x3FB0];
	_ =	sdelay $0x3  }
0x34: {  	[smem:$0x3FB0] =	sst s10  }
0x35: {  	s10 =	sld [smem:$0x3FAF];
	_ =	sdelay $0x3  }
0x36: {  	p1 =	seq.s32 s10, $0x1;
	s10 =	sld [smem:$0x3FB0];
	_ =	sdelay $0x3  }
0x37: {  	[smem:$0x3FB0] =	sst s10  }
0x38: {  	s10 =	sld [smem:$0x3FB1]  }
0x39: {  	_ = 	snop;
	(pc) =	sbr.ind lr, $3  }
0x3a: {  	_ = 	snop  }
0x3b: {  	_ = 	snop  }
0x3c: {  	p2 =	seq.s32 s10, $0x1;
	s10 =	sld [smem:$0x3FB0]  }
0x3d: {  	_ =	shalt  }
0x3e: {  	_ =	shalt  }
0x3f: {  	_ =	shalt  }
0x40: {  	_ =	shalt  }
0x41: {  	_ =	shalt  }
0x42: {  	_ =	shalt  }
0x43: {  	_ =	shalt  }
0x44: {  	_ =	shalt  }
0x45: {  	_ =	shalt  }
0x46: {  	_ =	shalt  }
0x47: {  	_ =	shalt  }
0x48: {  	_ =	shalt  }
0x49: {  	_ =	shalt  }
0x4a: {  	_ =	shalt  }
0x4b: {  	_ =	shalt  }
0x4c: {  	_ =	shalt  }
0x4d: {  	_ =	shalt  }
0x4e: {  	_ =	shalt  }
0x4f: {  	_ =	shalt  }
0x50: {  	_ =	shalt  }
0x51: {  	_ =	shalt  }
0x52: {  	_ =	shalt  }
0x53: {  	_ =	shalt  }
0x54: {  	_ =	shalt  }
0x55: {  	_ =	shalt  }
0x56: {  	_ =	shalt  }
0x57: {  	_ =	shalt  }
0x58: {  	_ =	shalt  }
0x59: {  	_ =	shalt  }
0x5a: {  	_ =	shalt  }
0x5b: {  	_ =	shalt  }
0x5c: {  	_ =	shalt  }
0x5d: {  	_ =	shalt  }
0x5e: {  	_ =	shalt  }
0x5f: {  	_ =	shalt  }
0x60: {  	_ =	shalt  }
0x61: {  	_ =	shalt  }
0x62: {  	_ =	shalt  }
0x63: {  	_ =	shalt  }
0x64: {  	_ =	shalt  }
0x65: {  	_ =	shalt  }
0x66: {  	_ =	shalt  }
0x67: {  	_ =	shalt  }
0x68: {  	_ =	shalt  }
0x69: {  	_ =	shalt  }
0x6a: {  	_ =	shalt  }
0x6b: {  	_ =	shalt  }
0x6c: {  	_ =	shalt  }
0x6d: {  	_ =	shalt  }
0x6e: {  	_ =	shalt  }
0x6f: {  	_ =	shalt  }
0x70: {  	_ =	shalt  }
0x71: {  	_ =	shalt  }
0x72: {  	_ =	shalt  }
0x73: {  	_ =	shalt  }
0x74: {  	_ =	shalt  }
0x75: {  	_ =	shalt  }
0x76: {  	_ =	shalt  }
0x77: {  	_ =	shalt  }
0x78: {  	_ =	shalt  }
0x79: {  	_ =	shalt  }
0x7a: {  	_ =	shalt  }
0x7b: {  	_ =	shalt  }
0x7c: {  	_ =	shalt  }
0x7d: {  	_ =	shalt  }
0x7e: {  	_ =	shalt  }
0x7f: {  	_ =	shalt  }
0x80: {  	_ =	shalt  }
0x81: {  	_ =	shalt  }
0x82: {  	_ =	shalt  }
0x83: {  	_ =	shalt  }
0x84: {  	_ =	shalt  }
0x85: {  	_ =	shalt  }
0x86: {  	_ =	shalt  }
0x87: {  	_ =	shalt  }
.Lfunc_end0:
.L_simem_size_0:
called_computation.1_lowered:
.L_overlay_start_0:
0x88: {  	s2 =	sld [smem:$0x3FD9]  }
0x89: {  	s3 =	sld [smem:$0x3FFE];
	_ =	sdelay $0x1  }
0x8a: {  	s1 =	srdreg.scid  }
0x8b: {  	s0 =	sand.u32 $0x1, s1  }
0x8c: {  	s16 =	sshll.u32 s0, $0xA;
	s2 =	sadd.s32 s3, s2  }
0x8d: {  	s2 =	sadd.s32 s2, s16  }
0x8e: {  	[smem:$0x3FBC] =	sst s2  }
0x8f: {  	_ = 	snop  }
0x90: {  	(tm) =	ssettm $0x1  }
0x91: {  	s17 =	sld [smem:$0x3FFB];
	_ =	sdelay $0x3  }
0x92: {  	_ =	strace s17  }
0x93: {  	s2 =	sld [smem:$0x3FFC];
	_ =	sdelay $0x3  }
0x94: {  	_ =	strace s2  }
0x95: {  	s2 =	sld [smem:$0x3FFD];
	_ =	sdelay $0x3  }
0x96: {  	_ =	strace s2  }
0x97: {  	_ =	strace $0x8FFFFFFF  }
0x98: {  	s18 =	sld [smem:$0x3FDB];
	_ =	sdelay $0x1  }
0x99: {  	s19 =	simm.s32 $_scs_section_size  }
0x9a: {  	s4 =	simm.s32 $_size__tile_overlayer_lowered;
	s5 =	simm.s32 $_tile_overlayer_lowered  }
0x9b: {  	s22 =	simm.s32 $0x1BFF;
	s21 =	sshll.u32 s5, $0x1;
	s2 =	sadd.s32 s19, s18  }
0x9c: {  	s6 =	simm.s32 $0x0;
	s20 =	sshll.u32 s4, $0x1;
	s4 =	sadd.s32 s21, s2  }
0x9d: {  	[timem:s6], [sflag:s22] =	dma.local [hbm:s4], s20  }
0x9e: {  	_ =	swait.ge [sflag:s22], s20  }
0x9f: {  	s3 =	ssub.s32 $0x0, s20;
	[sflag:s22] =	ssyncset.done $0x0  }
0xa0: {  	[sflag:s22] =	ssyncadd.s32 s3;
	_ =	sdelay $0x1  }
0xa1: {  	s23 =	simm.s32 $0x1B8B  }
0xa2: {  	_ =	swait.ge [sflag:s23], $0x1  }
0xa3: {  	[sflag:s23] =	ssyncset.done $0x0  }
0xa4: {  	s25 =	simm.s32 $0x1B8E;
	s24 =	sld [smem:$0x3FFE];
	[sflag:s23] =	ssyncadd.s32 $0xFFFFFFFF  }
0xa5: {  	s26 =	simm.s32 $execute0_lowered;
	[smem:$0x3FD2] =	sst s25  }
0xa6: {  	s4 =	sshll.u32 s26, $0x1;
	_ =	strace $0x80000049;
	[dreg:$0x1] =	wrdreg $0xFFFFFFFF  }
0xa7: {  	s28 =	simm.s32 $_size_execute0_lowered;
	s2 =	sadd.s32 s2, s4;
	[dreg:$0x0] =	wrdreg $0x0  }
0xa8: {  	s4 =	sshll.u32 s28, $0x1;
	[dreg:$0x2] =	wrdreg s2  }
0xa9: {  	[dreg:$0x3] =	wrdreg s4  }
0xaa: {  	[dreg:$0x4] =	wrdreg $0xC0  }
0xab: {  	_ =	task [dreg:s6], $0x5FFFF  }
0xac: {  	[dreg:$0x1] =	wrdreg $0xFFFFFFFF  }
0xad: {  	[dreg:$0x0] =	wrdreg $0x60  }
0xae: {  	[dreg:$0x2] =	wrdreg s24  }
0xaf: {  	[dreg:$0x3] =	wrdreg $0x42000  }
0xb0: {  	[dreg:$0x4] =	wrdreg $0x9  }
0xb1: {  	_ =	task.clear_ibuf [dreg:s6], $0x5FFFF;
	_ =	strace $0x90000049  }
0xb2: {  	s29 =	simm.s32 $0x9;
	_ =	strace $0x8000004B  }
0xb3: {  	_ =	swait.ge [sflag:s29], $0x1  }
0xb4: {  	[sflag:s29] =	ssyncadd.s32 $0xFFFFFFFF  }
0xb5: {  	_ =	strace $0x9000004B  }
0xb6: {  	_ =	sfence  }
0xb7: {  	s30 =	sld [smem:$0x0];
	_ =	sdelay $0x2  }
0xb8: {  	s31 =	sshll.u32 s1, $0xD;
	s1 =	sshrl.u32 s1, $0x2  }
0xb9: {  	s3 =	sand.u32 $0x4000, s31;
	s1 =	sadd.s32 s1, s30  }
0xba: {  	s0 =	sor.u32 s3, s0;
	s1 =	sshll.u32 s1, $0x11  }
0xbb: {  	s0 =	sor.u32 s1, s0  }
0xbc: {  	s0 =	sadd.s32 $0x8F2B, s0  }
0xbd: {  	[sflag:s0] =	ssyncadd.remote.s32 $0x1  }
0xbe: {  	_ =	sfence.sel $0xFFFF  }
0xbf: {  	[dreg:$0x0] =	wrdreg $0xFFFFFFFF;
	(pc) =	sbr.abs _section_cstart, $3  }
0xc0: {  	[dreg:$0x1] =	wrdreg $0xFFFFFFFF  }
0xc1: {  	_ =	task.clear_ibuf [dreg:s6], $0x2FFFF;
	_ =	strace $0x9FFFFFFF  }
0xc2: {  	(tm) =	ssettm $0x7FFFFFFF  }
0xc3: {  	_ =	shalt  }
tec
execute0_lowered:
.L_overlay_start_1:
0x0: {  	(tag) =	ssettag $0x1  }
0x1: {  	s0 =	rddreg [dreg:$0x0]  }
0x2: {  	s1 =	rddreg [dreg:$0x1];
	s3 =	simm.s32 $0x0  }
0x3: {  	s2 =	srdreg.scid;
	s18 =	stileid.u32;
	s28 =	simm.s32 $0x3  }
0x4: {  	s29 =	simm.s32 $0x6;
	s30 =	simm.s32 $0x4;
	s31 =	simm.s32 $0x0  }
0x5: {  	[smem:$0x7FF] =	sst s3;
	s2 =	sand.u32 $0x1, s2;
	s4 =	sadd.s32 $0x16200, s0  }
0x6: {  	s5 =	smul.u32 $0x9C40, s18;
	s15 =	sadd.s32 $0xC400, s0;
	s16 =	sadd.s32 $0x2600, s0  }
0x7: {  	s17 =	sadd.s32 $0x29C00, s0;
	s11 =	sshll.u32 s18, $0x6;
	s24 =	smul.u32 $0x4E0, s18  }
0x8: {  	_ =	strace $0x8000004A;
	s6 =	sshll.u32 s2, $0x4;
	s7 =	smul.u32 $0x9C400, s2  }
0x9: {  	[dreg:$0x3] =	wrdreg s17;
	s8 =	ssub.s32 $0x2, s2;
	s11 =	sor.u32 $0x1C07, s11  }
0xa: {  	s2 =	smul.u32 $0x4E00, s2;
	s25 =	sor.u32 s18, s6;
	s9 =	sshrl.u32 s8, $0x1  }
0xb: {  	s10 =	sadd.s32 s5, s1;
	s19 =	smul.u32 $0x4E, s25;
	s7 =	sadd.s32 s5, s7  }
0xc: {  	s17 =	smin.u32 s25, $0x4;
	s13 =	ssub.s32 s8, s9;
	p0 =	sgt.u32 s25, $0x3  }
0xd: {  	s25 =	simm.s32 $0x2200;
	s7 =	sshrl.u32 s7, $0x3;
	s6 =	sadd.s32 s17, s19  }
0xe: {  	s13 =	smax.u32 s13, $0x1;
	s0 =	sadd.s32 s7, s0;
	s14 =	sshll.u32 s6, $0x4  }
0xf: {  	s17 =	sshll.u32 s17, $0x4;
	s19 =	simm.s32 $0x80;
	s6 =	sadd.s32 s15, s14  }
0x10: {  	s12 =	sadd.s32 $0x2B000, s0;
	s20 =	sadd.s32 s16, s14;
	[dreg:$0x4] =	wrdreg s6  }
0x11: {  	s21 =	sadd.s32 $0x10, s14;
	s23 =	sadd.s32 $0x4E0, s14;
	[dreg:$0x5] =	wrdreg s20  }
0x12: {  	s22 =	sadd.s32 s15, s21;
	s9 =	sadd.s32 s16, s21;
	s14 =	sadd.s32 s15, s23  }
0x13: {  	s15 =	sadd.s32 s2, s15;
	s2 =	sadd.s32 s2, s16;
	s20 =	simm.s32 $0x180  }
0x14: {  	s21 =	simm.s32 $0x7;
	[dreg:$0x6] =	wrdreg s22;
	s18 =	sadd.s32 s24, s15  }
0x15: {  	s15 =	sadd.s32 s16, s23;
	s26 =	sadd.s32 s24, s2;
	s22 =	simm.s32 $0x1  }
0x16: {  	s23 =	simm.s32 $0x200;
	s24 =	simm.s32 $0x2;
	s16 =	sadd.s32 s17, s18  }
0x17: {  	s17 =	sadd.s32 s17, s26;
	s18 =	simm.s32 $0x100;
	s26 =	simm.s32 $0x5  }
.LBB2_1:
0x18: {  	s0 =	rddreg [dreg:$0x4]  }
0x19: {  	[tilespmem:s3], [sflag:$0x1] =	stream.linear.gather [hbm4b:s0+s3], $0x80, $0x38;
	[tilespmem:$0xDE40] =	vst v63  }
0x1a: {  	s5 =	rddreg [dreg:$0x5]  }
0x1b: {  	[tilespmem:s18], [sflag:$0x3] =	stream.linear.gather [hbm4b:s5+s3], $0x80, $0x38;
	[tilespmem:$0xDE40] =	vst v63  }
0x1c: {  	s6 =	rddreg [dreg:$0x6]  }
0x1d: {  	[tilespmem:s19], [sflag:$0x2] =	stream.linear.gather [hbm4b:s6+s3], $0x80, $0x38;
	[tilespmem:$0xDE40] =	vst v63  }
0x1e: {  	s2 =	rddreg [dreg:$0x3];
	s0 =	sshrl.u32 s10, $0x3  }
0x1f: {  	[tilespmem:s20], [sflag:$0x4] =	stream.linear.gather [hbm4b:s9+s3], $0x80, $0x38;
	[tilespmem:$0xDE40] =	vst v63  }
0x20: {  	[spmem:s0], [sflag:s11] =	dma.local [hbm:s2], $0x1388  }
0x21: {  	_ =	swait.ge [sflag:s21], $0x1388  }
0x22: {  	[sflag:s21] =	ssyncset.done $0x0  }
0x23: {  	[sflag:s21] =	ssyncadd.s32 $0xFFFFEC78  }
0x24: {  	[bflag:$0x0] =	sbarrier.arrive $0xFFFF  }
0x25: {  	_ =	swait.ge [sflag:s22], $0x80  }
0x26: {  	[sflag:s22] =	ssyncset.done $0x0  }
0x27: {  	[sflag:s22] =	ssyncadd.s32 $0xFFFFFF80  }
0x28: {  	[tilespmem:s23], [sflag:$0x5] =	stream.indirect.gather [hbm4b:s4+s19], $0x40, s3, s19, $0xb8;
	[tilespmem:$0xDE40] =	vst v63  }
0x29: {  	_ =	swait.ge [sflag:s24], $0x80  }
0x2a: {  	[sflag:s24] =	ssyncset.done $0x0  }
0x2b: {  	[sflag:s24] =	ssyncadd.s32 $0xFFFFFF80  }
0x2c: {  	[tilespmem:s25], [sflag:$0x6] =	stream.indirect.gather [hbm4b:s4+s19], $0x40, s19, s19, $0xb8;
	[tilespmem:$0xDE40] =	vst v63  }
0x2d: {  	_ =	swait.ge [sflag:s26], $0x2000  }
0x2e: {  	[sflag:s26] =	ssyncset.done $0x0  }
0x2f: {  	[sflag:s26] =	ssyncadd.s32 $0xFFFFE000  }
0x30: {  	_ =	swait.ge [sflag:s28], $0x80  }
0x31: {  	[sflag:s28] =	ssyncset.done $0x0  }
0x32: {  	[sflag:s28] =	ssyncadd.s32 $0xFFFFFF80  }
0x33: {  	[spmem:s1] =	stream.indirect.scatter.add.f32 [tilespmem:s23], [sflag:$0x7], $0x40, s18, s19, $0xb8;
	[tilespmem:$0xDE40] =	vst v63  }
0x34: {  	_ =	swait.ge [sflag:s21], $0x2000  }
0x35: {  	s7 =	sadd.s32 $0x0, s16;
	[sflag:s21] =	ssyncset.done $0x0  }
0x36: {  	s5 =	sadd.s32 $0x20, s7;
	s6 =	sadd.s32 $0x0, s17;
	[sflag:s21] =	ssyncadd.s32 $0xFFFFE000  }
0x37: {  	[tilespmem:s3], [sflag:$0x1] =	stream.linear.gather [hbm4b:s5+s3], $0x80, $0x38;
	[tilespmem:$0xDE40] =	vst v63  }
0x38: {  	s8 =	sadd.s32 $0x20, s6  }
0x39: {  	[tilespmem:s18], [sflag:$0x3] =	stream.linear.gather [hbm4b:s8+s3], $0x80, $0x38;
	[tilespmem:$0xDE40] =	vst v63  }
0x3a: {  	_ =	swait.ge [sflag:s22], $0x80  }
0x3b: {  	[sflag:s22] =	ssyncset.done $0x0  }
0x3c: {  	[sflag:s22] =	ssyncadd.s32 $0xFFFFFF80  }
0x3d: {  	[tilespmem:s23], [sflag:$0x5] =	stream.indirect.gather [hbm4b:s4+s19], $0x40, s3, s19, $0xb8;
	[tilespmem:$0xDE40] =	vst v63  }
0x3e: {  	_ =	swait.ge [sflag:s29], $0x2000  }
0x3f: {  	[sflag:s29] =	ssyncset.done $0x0  }
0x40: {  	[sflag:s29] =	ssyncadd.s32 $0xFFFFE000  }
0x41: {  	_ =	swait.ge [sflag:s30], $0x80  }
0x42: {  	[sflag:s30] =	ssyncset.done $0x0  }
0x43: {  	[sflag:s30] =	ssyncadd.s32 $0xFFFFFF80  }
0x44: {  	[spmem:s1] =	stream.indirect.scatter.add.f32 [tilespmem:s25], [sflag:$0x7], $0x40, s20, s19, $0xb8;
	[tilespmem:$0xDE40] =	vst v63  }
0x45: {  	_ =	swait.ge [sflag:s21], $0x2000  }
0x46: {  	[sflag:s21] =	ssyncset.done $0x0  }
0x47: {  	s2 =	sadd.s32 $0x30, s7;
	[sflag:s21] =	ssyncadd.s32 $0xFFFFE000  }
0x48: {  	[tilespmem:s19], [sflag:$0x2] =	stream.linear.gather [hbm4b:s2+s3], $0x80, $0x38;
	[tilespmem:$0xDE40] =	vst v63  }
0x49: {  	s5 =	sadd.s32 $0x30, s6;
	s2 =	simm.s32 $0x20  }
.LBB2_2:
0x4a: {  	[tilespmem:s20], [sflag:$0x4] =	stream.linear.gather [hbm4b:s5+s3], $0x80, $0x38;
	[tilespmem:$0xDE40] =	vst v63  }
0x4b: {  	s5 =	smov.u32 s2  }
0x4c: {  	p1 =	sne.s32 s2, $0x4A0;
	s2 =	sadd.s32 $0x20, s2;
	_ =	swait.ge [sflag:s24], $0x80  }
0x4d: {  	[sflag:s24] =	ssyncset.done $0x0  }
0x4e: {  	[sflag:s24] =	ssyncadd.s32 $0xFFFFFF80  }
0x4f: {  	[tilespmem:s25], [sflag:$0x6] =	stream.indirect.gather [hbm4b:s4+s19], $0x40, s19, s19, $0xb8;
	[tilespmem:$0xDE40] =	vst v63  }
0x50: {  	_ =	swait.ge [sflag:s26], $0x2000  }
0x51: {  	[sflag:s26] =	ssyncset.done $0x0  }
0x52: {  	[sflag:s26] =	ssyncadd.s32 $0xFFFFE000  }
0x53: {  	_ =	swait.ge [sflag:s28], $0x80  }
0x54: {  	[sflag:s28] =	ssyncset.done $0x0  }
0x55: {  	[sflag:s28] =	ssyncadd.s32 $0xFFFFFF80  }
0x56: {  	[spmem:s1] =	stream.indirect.scatter.add.f32 [tilespmem:s23], [sflag:$0x7], $0x40, s18, s19, $0xb8;
	[tilespmem:$0xDE40] =	vst v63  }
0x57: {  	_ =	swait.ge [sflag:s21], $0x2000  }
0x58: {  	s6 =	sadd.s32 s5, s16;
	[sflag:s21] =	ssyncset.done $0x0  }
0x59: {  	s5 =	sadd.s32 s5, s17;
	s7 =	sadd.s32 $0x20, s6;
	[sflag:s21] =	ssyncadd.s32 $0xFFFFE000  }
0x5a: {  	[tilespmem:s3], [sflag:$0x1] =	stream.linear.gather [hbm4b:s7+s3], $0x80, $0x38;
	[tilespmem:$0xDE40] =	vst v63  }
0x5b: {  	s7 =	sadd.s32 $0x20, s5  }
0x5c: {  	[tilespmem:s18], [sflag:$0x3] =	stream.linear.gather [hbm4b:s7+s3], $0x80, $0x38;
	[tilespmem:$0xDE40] =	vst v63  }
0x5d: {  	_ =	swait.ge [sflag:s22], $0x80  }
0x5e: {  	[sflag:s22] =	ssyncset.done $0x0  }
0x5f: {  	[sflag:s22] =	ssyncadd.s32 $0xFFFFFF80  }
0x60: {  	[tilespmem:s23], [sflag:$0x5] =	stream.indirect.gather [hbm4b:s4+s19], $0x40, s3, s19, $0xb8;
	[tilespmem:$0xDE40] =	vst v63  }
0x61: {  	_ =	swait.ge [sflag:s29], $0x2000  }
0x62: {  	[sflag:s29] =	ssyncset.done $0x0  }
0x63: {  	[sflag:s29] =	ssyncadd.s32 $0xFFFFE000  }
0x64: {  	_ =	swait.ge [sflag:s30], $0x80  }
0x65: {  	[sflag:s30] =	ssyncset.done $0x0  }
0x66: {  	[sflag:s30] =	ssyncadd.s32 $0xFFFFFF80  }
0x67: {  	[spmem:s1] =	stream.indirect.scatter.add.f32 [tilespmem:s25], [sflag:$0x7], $0x40, s20, s19, $0xb8;
	[tilespmem:$0xDE40] =	vst v63  }
.Ltmp0:
0x68: {  	_ =	swait.ge [sflag:s21], $0x2000;
	(pc) =	sbr.rel @p1 .LBB2_2-.Ltmp0, $4  }
0x69: {  	[sflag:s21] =	ssyncset.done $0x0  }
0x6a: {  	s6 =	sadd.s32 $0x30, s6;
	[sflag:s21] =	ssyncadd.s32 $0xFFFFE000  }
0x6b: {  	[tilespmem:s19], [sflag:$0x2] =	stream.linear.gather [hbm4b:s6+s3], $0x80, $0x38;
	[tilespmem:$0xDE40] =	vst v63  }
0x6c: {  	s5 =	sadd.s32 $0x30, s5  }
0x6d: {  	[tilespmem:s20], [sflag:$0x4] =	stream.linear.gather [hbm4b:s5+s3], $0x80, $0x38;
	[tilespmem:$0xDE40] =	vst v63  }
0x6e: {  	_ =	swait.ge [sflag:s24], $0x80  }
0x6f: {  	[sflag:s24] =	ssyncset.done $0x0  }
0x70: {  	[sflag:s24] =	ssyncadd.s32 $0xFFFFFF80  }
0x71: {  	[tilespmem:s25], [sflag:$0x6] =	stream.indirect.gather [hbm4b:s4+s19], $0x40, s19, s19, $0xb8;
	[tilespmem:$0xDE40] =	vst v63  }
0x72: {  	_ =	swait.ge [sflag:s26], $0x2000  }
0x73: {  	[sflag:s26] =	ssyncset.done $0x0  }
0x74: {  	[sflag:s26] =	ssyncadd.s32 $0xFFFFE000  }
0x75: {  	_ =	swait.ge [sflag:s28], $0x80  }
0x76: {  	[sflag:s28] =	ssyncset.done $0x0  }
0x77: {  	[sflag:s28] =	ssyncadd.s32 $0xFFFFFF80  }
0x78: {  	[spmem:s1] =	stream.indirect.scatter.add.f32 [tilespmem:s23], [sflag:$0x7], $0x40, s18, s19, $0xb8;
	[tilespmem:$0xDE40] =	vst v63  }
0x79: {  	_ =	swait.ge [sflag:s21], $0x2000  }
0x7a: {  	[sflag:s21] =	ssyncset.done $0x0  }
0x7b: {  	s2 =	simm.s32 @p0 $0x6;
	[sflag:s21] =	ssyncadd.s32 $0xFFFFE000  }
0x7c: {  	_ =	swait.ge @p0 [sflag:s2], $0x2000  }
0x7d: {  	[sflag:s2] =	ssyncset.done @p0 $0x0  }
0x7e: {  	[sflag:s2] =	ssyncadd.s32 @p0 $0xFFFFE000;
	s2 =	simm.s32 @p0 $0x4  }
0x7f: {  	_ =	swait.ge @p0 [sflag:s2], $0x80  }
0x80: {  	s5 =	simm.s32 @p0 $0x180;
	[sflag:s2] =	ssyncset.done @p0 $0x0  }
0x81: {  	s6 =	simm.s32 @p0 $0x2200;
	[sflag:s2] =	ssyncadd.s32 @p0 $0xFFFFFF80;
	s2 =	simm.s32 @p0 $0x80  }
0x82: {  	[spmem:s1] =	stream.indirect.scatter.add.f32 @p0 [tilespmem:s6], [sflag:$0x7], $0x40, s5, s2, $0xb8;
	[tilespmem:$0xDE40] =	vst v63  }
0x83: {  	s2 =	simm.s32 @p0 $0x7  }
0x84: {  	_ =	swait.ge @p0 [sflag:s2], $0x2000  }
0x85: {  	[sflag:s2] =	ssyncset.done @p0 $0x0  }
0x86: {  	[sflag:s2] =	ssyncadd.s32 @p0 $0xFFFFE000;
	s2 =	simm.s32 @!p0 $0x0  }
0x87: {  	[tilespmem:s2], [sflag:$0x1] =	stream.linear.gather @!p0 [hbm4b:s14+s2], $0x80, $0x38;
	[tilespmem:$0xDE40] =	vst v63  }
0x88: {  	s5 =	simm.s32 @!p0 $0x100;
	s6 =	simm.s32 @!p0 $0x1  }
0x89: {  	[tilespmem:s5], [sflag:$0x3] =	stream.linear.gather @!p0 [hbm4b:s15+s2], $0x80, $0x38;
	[tilespmem:$0xDE40] =	vst v63  }
0x8a: {  	_ =	swait.ge @!p0 [sflag:s6], $0x80  }
0x8b: {  	[sflag:s6] =	ssyncset.done @!p0 $0x0  }
0x8c: {  	s7 =	simm.s32 @!p0 $0x200;
	[sflag:s6] =	ssyncadd.s32 @!p0 $0xFFFFFF80;
	s6 =	simm.s32 @!p0 $0x80  }
0x8d: {  	[tilespmem:s7], [sflag:$0x5] =	stream.indirect.gather @!p0 [hbm4b:s4+s6], $0x40, s2, s6, $0xb8;
	[tilespmem:$0xDE40] =	vst v63  }
0x8e: {  	s2 =	simm.s32 @!p0 $0x6  }
0x8f: {  	_ =	swait.ge @!p0 [sflag:s2], $0x2000  }
0x90: {  	[sflag:s2] =	ssyncset.done @!p0 $0x0  }
0x91: {  	[sflag:s2] =	ssyncadd.s32 @!p0 $0xFFFFE000;
	s2 =	simm.s32 @!p0 $0x4  }
0x92: {  	_ =	swait.ge @!p0 [sflag:s2], $0x80  }
0x93: {  	[sflag:s2] =	ssyncset.done @!p0 $0x0  }
0x94: {  	s8 =	simm.s32 @!p0 $0x2200;
	[sflag:s2] =	ssyncadd.s32 @!p0 $0xFFFFFF80;
	s2 =	simm.s32 @!p0 $0x180  }
0x95: {  	[spmem:s1] =	stream.indirect.scatter.add.f32 @!p0 [tilespmem:s8], [sflag:$0x7], $0x40, s2, s6, $0xb8;
	[tilespmem:$0xDE40] =	vst v63  }
0x96: {  	s2 =	simm.s32 @!p0 $0x7  }
0x97: {  	_ =	swait.ge @!p0 [sflag:s2], $0x2000  }
0x98: {  	[sflag:s2] =	ssyncset.done @!p0 $0x0  }
0x99: {  	s8 =	simm.s32 @!p0 $0x5;
	[sflag:s2] =	ssyncadd.s32 @!p0 $0xFFFFE000  }
0x9a: {  	_ =	swait.ge @!p0 [sflag:s8], $0x2000  }
0x9b: {  	[sflag:s8] =	ssyncset.done @!p0 $0x0  }
0x9c: {  	[sflag:s8] =	ssyncadd.s32 @!p0 $0xFFFFE000;
	s8 =	simm.s32 @!p0 $0x3  }
0x9d: {  	_ =	swait.ge @!p0 [sflag:s8], $0x80  }
0x9e: {  	[sflag:s8] =	ssyncset.done @!p0 $0x0  }
0x9f: {  	[sflag:s8] =	ssyncadd.s32 @!p0 $0xFFFFFF80  }
0xa0: {  	[spmem:s1] =	stream.indirect.scatter.add.f32 @!p0 [tilespmem:s7], [sflag:$0x7], $0x40, s5, s6, $0xb8;
	[tilespmem:$0xDE40] =	vst v63  }
0xa1: {  	_ =	swait.ge @!p0 [sflag:s2], $0x2000  }
0xa2: {  	s31 =	sadd.s32 $0x1, s31;
	[sflag:s2] =	ssyncset.done @!p0 $0x0  }
0xa3: {  	p1 =	sne.s32 s31, s13;
	[sflag:s2] =	ssyncadd.s32 @!p0 $0xFFFFE000  }
.Ltmp1:
0xa4: {  	[bflag:$0x0] =	sbarrier.arrive $0xFFFF;
	(pc) =	sbr.rel @p1 .LBB2_1-.Ltmp1, $4  }
0xa5: {  	[hbm:s12], [sflag:s11] =	dma.local [spmem:s0], $0x1388  }
0xa6: {  	_ =	swait.ge [sflag:s21], $0x1388  }
0xa7: {  	[sflag:s21] =	ssyncset.done $0x0  }
0xa8: {  	[sflag:s21] =	ssyncadd.s32 $0xFFFFEC78  }
0xa9: {  	_ =	sfence.sel $0x180000  }
0xaa: {  	[bflag:$0x0] =	sbarrier.arrive $0xFFFF  }
0xab: {  	_ =	strace $0x9000004A  }
0xac: {  	s0 =	stileid.u32;
	[bflag:$0x2] =	sbarrier.arrive $0xFFFF  }
0xad: {  	p0 =	sne.s32 s0, $0x0;
	s0 =	rddreg [dreg:$0x2]  }
0xae: {  	s0 =	sadd.s32 @!p0 $0x100000, s0  }
0xaf: {  	[sflag:s0] =	ssyncadd.tile.s32 @!p0 $0x1;
	_ =	shalt  }
.Lfunc_end2:
_tile_overlayer_lowered:
.L_overlay_start_2:
0xb0: {  	(tag) =	ssettag $0x2  }
0xb1: {  	s0 =	rddreg [dreg:$0x0];
	s2 =	stileid.u32  }
0xb2: {  	s1 =	rddreg [dreg:$0x1];
	p0 =	sne.s32 s2, $0x0  }
0xb3: {  	s3 =	rddreg [dreg:$0x2];
	[bflag:$0x3] =	sbarrier.arrive $0xFFFF;
	s2 =	simm.s32 @!p0 $0x1C07  }
0xb4: {  	[timem:s3], [sflag:s2] =	dma.local @!p0 [hbm:s0], s1  }
0xb5: {  	s0 =	simm.s32 @!p0 $0x7  }
0xb6: {  	_ =	swait.ge @!p0 [sflag:s0], s1  }
0xb7: {  	s1 =	ssub.s32 @!p0 $0x0, s1;
	[sflag:s0] =	ssyncset.done @!p0 $0x0  }
0xb8: {  	[sflag:s0] =	ssyncadd.s32 @!p0 s1  }
0xb9: {  	[bflag:$0x3] =	sbarrier.arrive $0xFFFF  }
0xba: {  	_ =	shalt  }

// kernel: kernel.7.cloned.1.call-start
scs
__scs_entry_jumppad:
0x0: {  	(pc) =	sbr.rel $0x88, $3  }
0x1: {  	(tag) =	ssettag $0x0;
	lr =	simm.s32 $0x1  }
0x2: {  	[smem:$0x3F95] =	sst lr;
	_ =	strace $0xD0000000  }
0x3: {  	_ = 	snop  }
0x4: {  	_ = 	snop  }
0x5: {  	_ = 	snop  }
0x6: {  	_ = 	snop  }
0x7: {  	_ = 	snop  }
__scs_overlays_trampoline_lowered:
0x8: {  	[smem:$0x3FA4] =	sst s0  }
0x9: {  	[smem:$0x3FA5] =	sst s1  }
0xa: {  	[smem:$0x3FA6] =	sst s2  }
0xb: {  	[smem:$0x3FA7] =	sst s3  }
0xc: {  	[smem:$0x3FA8] =	sst s4  }
0xd: {  	[smem:$0x3FA9] =	sst s5  }
0xe: {  	[smem:$0x3FAA] =	sst s6  }
0xf: {  	[smem:$0x3FAB] =	sst s7  }
0x10: {  	[smem:$0x3FAC] =	sst s8  }
0x11: {  	[smem:$0x3FAD] =	sst s9;
	s0 =	simm.s32 @!p0 $0x0  }
0x12: {  	s1 =	sld [smem:$0x3F93];
	s0 =	simm.s32 @p0 $0x1  }
0x13: {  	[smem:$0x3FAE] =	sst s0;
	s0 =	simm.s32 @!p1 $0x0  }
0x14: {  	s2 =	sld [smem:$0x3F92];
	s0 =	simm.s32 @p1 $0x1  }
0x15: {  	[smem:$0x3FAF] =	sst s0;
	s0 =	simm.s32 @!p2 $0x0  }
0x16: {  	s3 =	sld [smem:$0x3FDB];
	s0 =	simm.s32 @p2 $0x1  }
0x17: {  	s4 =	simm.s32 $0x1BF5;
	[smem:$0x3FB1] =	sst s0  }
0x18: {  	s0 =	sld [smem:$0x3F94];
	_ =	swait.ge [sflag:s4], $0x0  }
0x19: {  	s7 =	sld [smem:$0x3F95]  }
0x1a: {  	s8 =	sadd.s32 $0xFFFFE003, lr  }
0x1b: {  	s9 =	sadd.s32 $0xFFFFFEF7, lr;
	s5 =	simm.s32 $0xFFFFFFFF;
	p2 =	slt.u32 s8, $0xFFFFF086  }
0x1c: {  	p1 =	slt.u32 s9, $0xF7A;
	s5 =	simm.s32 @!p2 $0x0  }
0x1d: {  	s5 =	simm.s32 @p1 $0x1;
	p0 =	seq.s32 s7, s2  }
0x1e: {  	s7 =	smul.u32 @!p0 $0xF7A, s2;
	p2 =	seq.s32 @!p0 s5, $0x0  }
0x1f: {  	s9 =	smul.u32 $0xF7A, s1;
	s8 =	simm.s32 @!p0 $0x1BF5;
	p2 =	por !p2, p0  }
0x20: {  	[sflag:s8] =	ssyncset.s32 @!p0 $0xFFFFF086;
	s6 =	sadd.s32 @!p0 s3, s7;
	s7 =	simm.s32 @!p0 $0x108  }
0x21: {  	s3 =	sadd.s32 s3, s9;
	s6 =	sadd.s32 @!p0 $0x88, s6;
	s7 =	simm.s32 @p2 $0x1082  }
0x22: {  	[simem:s7], [sflag:s8] =	dma.local @!p0 [hbm:s6], $0xF7A  }
0x23: {  	s9 =	sor.u32 $0xD0000000, s2;
	s6 =	simm.s32 $0x108;
	_ =	swait.ge @!p0 [sflag:s8], $0x0  }
0x24: {  	s3 =	sadd.s32 $0x88, s3;
	s6 =	simm.s32 @!p1 $0x1082;
	[sflag:s4] =	ssyncset.s32 $0xFFFFF086  }
0x25: {  	[simem:s6], [sflag:s4] =	dma.local [hbm:s3], $0xF7A  }
0x26: {  	[smem:$0x3F95] =	sst s1;
	(tag) =	ssettag s2;
	_ =	strace s9  }
0x27: {  	s1 =	sld [smem:$0x3FA5]  }
0x28: {  	s2 =	sld [smem:$0x3FA6]  }
0x29: {  	s4 =	sld [smem:$0x3FA8]  }
0x2a: {  	p0 =	seq.s32 s5, $0x0;
	s5 =	sld [smem:$0x3FA9]  }
0x2b: {  	s6 =	sld [smem:$0x3FAA]  }
0x2c: {  	s7 =	sld [smem:$0x3FAB]  }
0x2d: {  	s3 =	simm.s32 $0x108;
	s8 =	sld [smem:$0x3FAC]  }
0x2e: {  	s3 =	simm.s32 @!p0 $0x1082;
	s9 =	sld [smem:$0x3FAD]  }
0x2f: {  	lr =	sadd.s32 s0, s3;
	s0 =	sld [smem:$0x3FA4]  }
0x30: {  	s3 =	sld [smem:$0x3FA7]  }
0x31: {  	[smem:$0x3FB0] =	sst s10  }
0x32: {  	s10 =	sld [smem:$0x3FAE];
	_ =	sdelay $0x3  }
0x33: {  	p0 =	seq.s32 s10, $0x1;
	s10 =	sld [smem:$0x3FB0];
	_ =	sdelay $0x3  }
0x34: {  	[smem:$0x3FB0] =	sst s10  }
0x35: {  	s10 =	sld [smem:$0x3FAF];
	_ =	sdelay $0x3  }
0x36: {  	p1 =	seq.s32 s10, $0x1;
	s10 =	sld [smem:$0x3FB0];
	_ =	sdelay $0x3  }
0x37: {  	[smem:$0x3FB0] =	sst s10  }
0x38: {  	s10 =	sld [smem:$0x3FB1]  }
0x39: {  	_ = 	snop;
	(pc) =	sbr.ind lr, $3  }
0x3a: {  	_ = 	snop  }
0x3b: {  	_ = 	snop  }
0x3c: {  	p2 =	seq.s32 s10, $0x1;
	s10 =	sld [smem:$0x3FB0]  }
0x3d: {  	_ =	shalt  }
0x3e: {  	_ =	shalt  }
0x3f: {  	_ =	shalt  }
0x40: {  	_ =	shalt  }
0x41: {  	_ =	shalt  }
0x42: {  	_ =	shalt  }
0x43: {  	_ =	shalt  }
0x44: {  	_ =	shalt  }
0x45: {  	_ =	shalt  }
0x46: {  	_ =	shalt  }
0x47: {  	_ =	shalt  }
0x48: {  	_ =	shalt  }
0x49: {  	_ =	shalt  }
0x4a: {  	_ =	shalt  }
0x4b: {  	_ =	shalt  }
0x4c: {  	_ =	shalt  }
0x4d: {  	_ =	shalt  }
0x4e: {  	_ =	shalt  }
0x4f: {  	_ =	shalt  }
0x50: {  	_ =	shalt  }
0x51: {  	_ =	shalt  }
0x52: {  	_ =	shalt  }
0x53: {  	_ =	shalt  }
0x54: {  	_ =	shalt  }
0x55: {  	_ =	shalt  }
0x56: {  	_ =	shalt  }
0x57: {  	_ =	shalt  }
0x58: {  	_ =	shalt  }
0x59: {  	_ =	shalt  }
0x5a: {  	_ =	shalt  }
0x5b: {  	_ =	shalt  }
0x5c: {  	_ =	shalt  }
0x5d: {  	_ =	shalt  }
0x5e: {  	_ =	shalt  }
0x5f: {  	_ =	shalt  }
0x60: {  	_ =	shalt  }
0x61: {  	_ =	shalt  }
0x62: {  	_ =	shalt  }
0x63: {  	_ =	shalt  }
0x64: {  	_ =	shalt  }
0x65: {  	_ =	shalt  }
0x66: {  	_ =	shalt  }
0x67: {  	_ =	shalt  }
0x68: {  	_ =	shalt  }
0x69: {  	_ =	shalt  }
0x6a: {  	_ =	shalt  }
0x6b: {  	_ =	shalt  }
0x6c: {  	_ =	shalt  }
0x6d: {  	_ =	shalt  }
0x6e: {  	_ =	shalt  }
0x6f: {  	_ =	shalt  }
0x70: {  	_ =	shalt  }
0x71: {  	_ =	shalt  }
0x72: {  	_ =	shalt  }
0x73: {  	_ =	shalt  }
0x74: {  	_ =	shalt  }
0x75: {  	_ =	shalt  }
0x76: {  	_ =	shalt  }
0x77: {  	_ =	shalt  }
0x78: {  	_ =	shalt  }
0x79: {  	_ =	shalt  }
0x7a: {  	_ =	shalt  }
0x7b: {  	_ =	shalt  }
0x7c: {  	_ =	shalt  }
0x7d: {  	_ =	shalt  }
0x7e: {  	_ =	shalt  }
0x7f: {  	_ =	shalt  }
0x80: {  	_ =	shalt  }
0x81: {  	_ =	shalt  }
0x82: {  	_ =	shalt  }
0x83: {  	_ =	shalt  }
0x84: {  	_ =	shalt  }
0x85: {  	_ =	shalt  }
0x86: {  	_ =	shalt  }
0x87: {  	_ =	shalt  }
.Lfunc_end0:
.L_simem_size_0:
called_computation_lowered:
.L_overlay_start_0:
0x88: {  	s2 =	sld [smem:$0x3FD9]  }
0x89: {  	s3 =	sld [smem:$0x3FFE];
	_ =	sdelay $0x1  }
0x8a: {  	s1 =	srdreg.scid  }
0x8b: {  	s0 =	sand.u32 $0x1, s1  }
0x8c: {  	s17 =	sshll.u32 s0, $0xA;
	s2 =	sadd.s32 s3, s2  }
0x8d: {  	s2 =	sadd.s32 s2, s17  }
0x8e: {  	[smem:$0x3FBC] =	sst s2  }
0x8f: {  	_ = 	snop  }
0x90: {  	s2 =	sld [smem:$0x3FC9];
	(tm) =	ssettm $0x1  }
0x91: {  	s18 =	sld [smem:$0x3FFB];
	_ =	sdelay $0x3  }
0x92: {  	_ =	strace s18  }
0x93: {  	s3 =	sld [smem:$0x3FFC];
	_ =	sdelay $0x3  }
0x94: {  	_ =	strace s3  }
0x95: {  	s3 =	sld [smem:$0x3FFD];
	_ =	sdelay $0x3  }
0x96: {  	_ =	strace s3  }
0x97: {  	_ =	strace $0x8FFFFFFF  }
0x98: {  	s19 =	sld [smem:$0x3FDB];
	_ =	sdelay $0x1  }
0x99: {  	s4 =	simm.s32 $_scs_section_size  }
0x9a: {  	s5 =	simm.s32 $_size__tile_overlayer_lowered;
	s6 =	simm.s32 $_tile_overlayer_lowered  }
0x9b: {  	s22 =	simm.s32 $0x1BFF;
	s21 =	sshll.u32 s6, $0x1;
	s3 =	sadd.s32 s4, s19  }
0x9c: {  	s7 =	simm.s32 $0x0;
	s20 =	sshll.u32 s5, $0x1;
	s5 =	sadd.s32 s21, s3  }
0x9d: {  	[timem:s7], [sflag:s22] =	dma.local [hbm:s5], s20  }
0x9e: {  	_ =	swait.ge [sflag:s22], s20  }
0x9f: {  	s4 =	ssub.s32 $0x0, s20;
	[sflag:s22] =	ssyncset.done $0x0  }
0xa0: {  	[sflag:s22] =	ssyncadd.s32 s4;
	_ =	sdelay $0x1  }
0xa1: {  	s23 =	simm.s32 $0x1B8B  }
0xa2: {  	_ =	swait.ge [sflag:s23], $0x1  }
0xa3: {  	[sflag:s23] =	ssyncset.done $0x0  }
0xa4: {  	s25 =	simm.s32 $0x1B8E;
	s24 =	sld [smem:$0x3FFE];
	[sflag:s23] =	ssyncadd.s32 $0xFFFFFFFF  }
0xa5: {  	s26 =	simm.s32 $execute0_lowered;
	[smem:$0x3FD2] =	sst s25  }
0xa6: {  	s5 =	sshll.u32 s26, $0x1;
	_ =	strace $0x80000046;
	[dreg:$0x1] =	wrdreg $0xFFFFFFFF  }
0xa7: {  	s28 =	simm.s32 $_size_execute0_lowered;
	s3 =	sadd.s32 s3, s5;
	[dreg:$0x0] =	wrdreg $0x0  }
0xa8: {  	s5 =	sshll.u32 s28, $0x1;
	[dreg:$0x2] =	wrdreg s3  }
0xa9: {  	[dreg:$0x3] =	wrdreg s5  }
0xaa: {  	[dreg:$0x4] =	wrdreg $0xC0  }
0xab: {  	_ =	task [dreg:s7], $0x5FFFF  }
0xac: {  	[dreg:$0x1] =	wrdreg $0xFFFFFFFF  }
0xad: {  	[dreg:$0x0] =	wrdreg $0x60  }
0xae: {  	[dreg:$0x2] =	wrdreg s2  }
0xaf: {  	[dreg:$0x3] =	wrdreg s24  }
0xb0: {  	[dreg:$0x4] =	wrdreg $0x82000  }
0xb1: {  	[dreg:$0x5] =	wrdreg $0x1C2800  }
0xb2: {  	[dreg:$0x6] =	wrdreg $0x9  }
0xb3: {  	_ =	task.clear_ibuf [dreg:s7], $0x7FFFF;
	_ =	strace $0x90000046  }
0xb4: {  	s29 =	simm.s32 $0x9;
	_ =	strace $0x80000048  }
0xb5: {  	_ =	swait.ge [sflag:s29], $0x1  }
0xb6: {  	[sflag:s29] =	ssyncadd.s32 $0xFFFFFFFF  }
0xb7: {  	_ =	strace $0x90000048  }
0xb8: {  	_ =	sfence  }
0xb9: {  	s30 =	sld [smem:$0x0];
	_ =	sdelay $0x2  }
0xba: {  	s31 =	sshll.u32 s1, $0xD;
	s1 =	sshrl.u32 s1, $0x2  }
0xbb: {  	s3 =	sand.u32 $0x4000, s31;
	s1 =	sadd.s32 s1, s30  }
0xbc: {  	s0 =	sor.u32 s3, s0;
	s1 =	sshll.u32 s1, $0x11  }
0xbd: {  	s0 =	sor.u32 s1, s0  }
0xbe: {  	s0 =	sadd.s32 $0x8F2B, s0  }
0xbf: {  	[sflag:s0] =	ssyncadd.remote.s32 $0x1  }
0xc0: {  	_ =	sfence.sel $0xFFFF  }
0xc1: {  	[dreg:$0x0] =	wrdreg $0xFFFFFFFF;
	(pc) =	sbr.abs _section_cstart, $3  }
0xc2: {  	[dreg:$0x1] =	wrdreg $0xFFFFFFFF  }
0xc3: {  	_ =	task.clear_ibuf [dreg:s7], $0x2FFFF;
	_ =	strace $0x9FFFFFFF  }
0xc4: {  	(tm) =	ssettm $0x7FFFFFFF  }
0xc5: {  	_ =	shalt  }
tec
execute0_lowered:
.L_overlay_start_1:
0x0: {  	(tag) =	ssettag $0x1  }
0x1: {  	s1 =	rddreg [dreg:$0x0]  }
0x2: {  	s0 =	rddreg [dreg:$0x1]  }
0x3: {  	s2 =	rddreg [dreg:$0x2]  }
0x4: {  	s4 =	rddreg [dreg:$0x3];
	s5 =	simm.s32 $0x0;
	s3 =	srdreg.scid  }
0x5: {  	s18 =	stileid.u32;
	s29 =	simm.s32 $0x1;
	s31 =	simm.s32 $0x0  }
0x6: {  	[smem:$0x7FF] =	sst s5;
	s3 =	sand.u32 $0x1, s3;
	s6 =	smul.u32 $0x13880, s18  }
0x7: {  	s9 =	sadd.s32 $0xC400, s0;
	s10 =	sadd.s32 $0x2600, s0;
	s15 =	smul.u32 $0x2710, s18  }
0x8: {  	s8 =	sadd.s32 $0x16800, s0;
	s11 =	sadd.s32 $0x16200, s0;
	s26 =	smul.u32 $0x4E0, s18  }
0x9: {  	s24 =	sshll.u32 s18, $0x6;
	_ =	strace $0x80000047;
	s7 =	smul.u32 $0x138800, s3  }
0xa: {  	[dreg:$0x6] =	wrdreg s8;
	s12 =	smul.u32 $0x27100, s3;
	s13 =	sshll.u32 s3, $0x4  }
0xb: {  	[dreg:$0x7] =	wrdreg s11;
	s11 =	sor.u32 s18, s13;
	s7 =	sadd.s32 s6, s7  }
0xc: {  	s8 =	sadd.s32 s15, s12;
	s12 =	ssub.s32 $0x2, s3;
	s13 =	smul.u32 $0x4E, s11  }
0xd: {  	s20 =	smin.u32 s11, $0x4;
	p0 =	slt.u32 s11, $0x4;
	s6 =	sadd.s32 s6, s2  }
0xe: {  	s15 =	sadd.s32 s15, s4;
	s3 =	smul.u32 $0x4E00, s3;
	s7 =	sshrl.u32 s7, $0x3  }
0xf: {  	s8 =	sshrl.u32 s8, $0x3;
	s14 =	sshrl.u32 s12, $0x1;
	[dreg:$0xc] =	wrdreg s6  }
0x10: {  	s30 =	sshll.u32 s20, $0x4;
	s7 =	sadd.s32 s7, s0;
	s19 =	sadd.s32 s8, s0  }
0x11: {  	s13 =	sadd.s32 s20, s13;
	s8 =	simm.s32 $0x4F;
	s21 =	ssub.s32 s12, s14  }
0x12: {  	s28 =	sadd.s32 s3, s9;
	s3 =	sadd.s32 s3, s10;
	s8 =	simm.s32 @!p0 $0x4E  }
0x13: {  	s14 =	sshll.u32 s13, $0x4;
	s18 =	sadd.s32 $0x22E00, s7;
	s19 =	sadd.s32 $0x19000, s19  }
0x14: {  	s6 =	sadd.s32 s26, s28;
	s20 =	smax.u32 s21, $0x1;
	s16 =	sadd.s32 s9, s14  }
0x15: {  	s17 =	sadd.s32 s10, s14;
	s22 =	sadd.s32 $0x10, s14;
	s14 =	sor.u32 $0x1C07, s24  }
0x16: {  	s25 =	sadd.s32 $0xFFFFFFFD, s8;
	s21 =	sadd.s32 s30, s6;
	[dreg:$0x8] =	wrdreg s16  }
0x17: {  	s24 =	simm.s32 $0x80;
	[dreg:$0x9] =	wrdreg s17;
	s11 =	sadd.s32 s9, s22  }
0x18: {  	s23 =	sadd.s32 s10, s22;
	s16 =	sadd.s32 $0x16300, s0;
	[dreg:$0x5] =	wrdreg s25  }
0x19: {  	s17 =	sadd.s32 $0xFFFFFFFE, s8;
	s0 =	sadd.s32 s26, s3;
	[dreg:$0xa] =	wrdreg s11  }
0x1a: {  	s26 =	simm.s32 $0x7;
	[dreg:$0xb] =	wrdreg s23;
	s22 =	sadd.s32 s30, s0  }
.LBB2_1:
0x1b: {  	s0 =	rddreg [dreg:$0x8]  }
0x1c: {  	s7 =	rddreg [dreg:$0x9]  }
0x1d: {  	s9 =	rddreg [dreg:$0xa]  }
0x1e: {  	[tilespmem:s5], [sflag:$0x1] =	stream.linear.gather [hbm4b:s0+s5], $0x80, $0x38;
	[tilespmem:$0x1E990] =	vst v63  }
0x1f: {  	s3 =	simm.s32 $0x100;
	s10 =	rddreg [dreg:$0xb]  }
0x20: {  	[tilespmem:s3], [sflag:$0x3] =	stream.linear.gather [hbm4b:s7+s5], $0x80, $0x38;
	[tilespmem:$0x1E990] =	vst v63  }
0x21: {  	s12 =	rddreg [dreg:$0xc]  }
0x22: {  	[tilespmem:s24], [sflag:$0x2] =	stream.linear.gather [hbm4b:s9+s5], $0x80, $0x38;
	[tilespmem:$0x1E990] =	vst v63  }
0x23: {  	s11 =	simm.s32 $0x180;
	s13 =	rddreg [dreg:$0x6];
	s0 =	sshrl.u32 s12, $0x3  }
0x24: {  	[tilespmem:s11], [sflag:$0x4] =	stream.linear.gather [hbm4b:s10+s5], $0x80, $0x38;
	[tilespmem:$0x1E990] =	vst v63  }
0x25: {  	[spmem:s0], [sflag:s14] =	dma.local [hbm:s13], $0x2710  }
0x26: {  	_ =	swait.ge [sflag:s26], $0x2710  }
0x27: {  	[sflag:s26] =	ssyncset.done $0x0  }
0x28: {  	s6 =	simm.s32 $0x1BA80;
	s23 =	rddreg [dreg:$0x7];
	[sflag:s26] =	ssyncadd.s32 $0xFFFFD8F0  }
0x29: {  	[tilespmem:s6], [sflag:$0x7] =	stream.linear.gather [hbm4b:s23+s5], $0x800, $0x38;
	[tilespmem:$0x1E990] =	vst v63  }
0x2a: {  	_ =	swait.ge [sflag:s26], $0x800  }
0x2b: {  	[sflag:s26] =	ssyncset.done $0x0  }
0x2c: {  	s3 =	sshrl.u32 s15, $0x3;
	[sflag:s26] =	ssyncadd.s32 $0xFFFFF800  }
0x2d: {  	[spmem:s3], [sflag:s14] =	dma.local [hbm:s16], $0x4E2  }
0x2e: {  	_ =	swait.ge [sflag:s26], $0x4E2  }
0x2f: {  	[sflag:s26] =	ssyncset.done $0x0  }
0x30: {  	[sflag:s26] =	ssyncadd.s32 $0xFFFFFB1E  }
0x31: {  	[bflag:$0x0] =	sbarrier.arrive $0xFFFF  }
0x32: {  	_ =	swait.ge [sflag:s29], $0x80  }
0x33: {  	p0 =	sle.u32 s8, $0x1;
	[sflag:s29] =	ssyncset.done $0x0  }
0x34: {  	s25 =	simm.s32 $0x200;
	s6 =	simm.s32 @!p0 $0x2;
	[sflag:s29] =	ssyncadd.s32 $0xFFFFFF80  }
0x35: {  	[tilespmem:s25], [sflag:$0x5] =	stream.indirect.gather [hbm4b:s1+s24], $0x80, s5, s24, $0xb8;
	[tilespmem:$0x1E990] =	vst v63  }
0x36: {  	_ =	swait.ge @!p0 [sflag:s6], $0x80  }
0x37: {  	p1 =	sle.u32 s8, $0x0;
	s7 =	simm.s32 @!p0 $0x4200;
	[sflag:s6] =	ssyncset.done @!p0 $0x0  }
0x38: {  	s9 =	simm.s32 @!p1 $0x5;
	[sflag:s6] =	ssyncadd.s32 @!p0 $0xFFFFFF80;
	s6 =	simm.s32 @!p0 $0x80  }
0x39: {  	[tilespmem:s7], [sflag:$0x6] =	stream.indirect.gather @!p0 [hbm4b:s1+s6], $0x80, s6, s6, $0xb8;
	[tilespmem:$0x1E990] =	vst v63  }
0x3a: {  	_ =	swait.ge @!p1 [sflag:s9], $0x4000  }
0x3b: {  	[sflag:s9] =	ssyncset.done @!p1 $0x0  }
0x3c: {  	[sflag:s9] =	ssyncadd.s32 @!p1 $0xFFFFC000;
	s9 =	simm.s32 @!p1 $0x3  }
0x3d: {  	_ =	swait.ge @!p1 [sflag:s9], $0x80  }
0x3e: {  	s10 =	simm.s32 @!p1 $0x200;
	s23 =	simm.s32 @!p1 $0x7;
	[sflag:s9] =	ssyncset.done @!p1 $0x0  }
0x3f: {  	s25 =	simm.s32 @!p1 $0x100;
	[sflag:s9] =	ssyncadd.s32 @!p1 $0xFFFFFF80;
	s9 =	simm.s32 @!p1 $0x80  }
0x40: {  	[spmem:s2] =	stream.indirect.scatter.add.f32 @!p1 [tilespmem:s10], [sflag:$0x7], $0x80, s25, s9, $0xb8;
	[tilespmem:$0x1E990] =	vst v63  }
0x41: {  	_ =	swait.ge @!p1 [sflag:s23], $0x4000  }
0x42: {  	[sflag:s23] =	ssyncset.done @!p1 $0x0  }
0x43: {  	p2 =	sle.u32 @!p1 s17, $0x0;
	s10 =	simm.s32 @!p1 $0x1BA80;
	[sflag:s23] =	ssyncadd.s32 @!p1 $0xFFFFC000  }
0x44: {  	[spmem:s4] =	stream.indirect.scatter.add.f32 @!p1 [tilespmem:s10], [sflag:$0x7], $0x10, s25, s9, $0xb8;
	[tilespmem:$0x1E990] =	vst v63  }
0x45: {  	p2 =	por p2, p1;
	_ =	swait.ge @!p1 [sflag:s23], $0x800  }
0x46: {  	s9 =	sadd.s32 @!p2 $0x0, s21;
	s10 =	sadd.s32 @!p2 $0x0, s22;
	[sflag:s23] =	ssyncset.done @!p1 $0x0  }
0x47: {  	s9 =	sadd.s32 @!p2 $0x20, s9;
	[sflag:s23] =	ssyncadd.s32 @!p1 $0xFFFFF800;
	s23 =	simm.s32 @!p2 $0x0  }
0x48: {  	[tilespmem:s23], [sflag:$0x1] =	stream.linear.gather @!p2 [hbm4b:s9+s23], $0x80, $0x38;
	[tilespmem:$0x1E990] =	vst v63  }
0x49: {  	p1 =	sle.u32 s17, $0x0;
	s9 =	sadd.s32 @!p2 $0x20, s10;
	s10 =	simm.s32 @!p2 $0x100  }
0x4a: {  	[tilespmem:s10], [sflag:$0x3] =	stream.linear.gather @!p2 [hbm4b:s9+s23], $0x80, $0x38;
	[tilespmem:$0x1E990] =	vst v63  }
0x4b: {  	s9 =	simm.s32 @!p1 $0x1  }
0x4c: {  	_ =	swait.ge @!p1 [sflag:s9], $0x80  }
0x4d: {  	s25 =	simm.s32 @!p1 $0x0;
	s10 =	simm.s32 @!p1 $0x200;
	[sflag:s9] =	ssyncset.done @!p1 $0x0  }
0x4e: {  	s23 =	simm.s32 @!p0 $0x6;
	[sflag:s9] =	ssyncadd.s32 @!p1 $0xFFFFFF80;
	s9 =	simm.s32 @!p1 $0x80  }
0x4f: {  	[tilespmem:s10], [sflag:$0x5] =	stream.indirect.gather @!p1 [hbm4b:s1+s9], $0x80, s25, s9, $0xb8;
	[tilespmem:$0x1E990] =	vst v63  }
0x50: {  	_ =	swait.ge @!p0 [sflag:s23], $0x4000  }
0x51: {  	[sflag:s23] =	ssyncset.done @!p0 $0x0  }
0x52: {  	s9 =	simm.s32 @!p0 $0x4;
	[sflag:s23] =	ssyncadd.s32 @!p0 $0xFFFFC000  }
0x53: {  	_ =	swait.ge @!p0 [sflag:s9], $0x80  }
0x54: {  	[sflag:s9] =	ssyncset.done @!p0 $0x0  }
0x55: {  	s10 =	simm.s32 @!p0 $0x180;
	s25 =	simm.s32 @!p0 $0x7;
	[sflag:s9] =	ssyncadd.s32 @!p0 $0xFFFFFF80  }
0x56: {  	[spmem:s2] =	stream.indirect.scatter.add.f32 @!p0 [tilespmem:s7], [sflag:$0x7], $0x80, s10, s6, $0xb8;
	[tilespmem:$0x1E990] =	vst v63  }
0x57: {  	_ =	swait.ge @!p0 [sflag:s25], $0x4000  }
0x58: {  	[sflag:s25] =	ssyncset.done @!p0 $0x0  }
0x59: {  	s7 =	simm.s32 @!p0 $0x1BA80;
	[sflag:s25] =	ssyncadd.s32 @!p0 $0xFFFFC000  }
0x5a: {  	[spmem:s4] =	stream.indirect.scatter.add.f32 @!p0 [tilespmem:s7], [sflag:$0x7], $0x10, s10, s6, $0xb8;
	[tilespmem:$0x1E990] =	vst v63  }
0x5b: {  	_ =	swait.ge @!p0 [sflag:s25], $0x800  }
0x5c: {  	s30 =	simm.s32 $0x40;
	s28 =	simm.s32 $0x2;
	s6 =	rddreg [dreg:$0x5]  }
0x5d: {  	s23 =	simm.s32 $0x20;
	[sflag:s25] =	ssyncset.done @!p0 $0x0;
	p1 =	sle.u32 @!p0 s6, $0x0  }
0x5e: {  	[sflag:s25] =	ssyncadd.s32 @!p0 $0xFFFFF800;
	s25 =	simm.s32 $0x2;
	p2 =	por p1, p0  }
0x5f: {  	p0 =	sle.u32 s8, $0x3;
	s6 =	sadd.s32 @!p2 $0x0, s21;
	s7 =	sadd.s32 @!p2 $0x0, s22  }
0x60: {  	s10 =	simm.s32 @!p2 $0x80;
	s9 =	sadd.s32 @!p2 $0x30, s6;
	s6 =	simm.s32 @!p2 $0x0  }
.LBB2_2:
0x61: {  	[tilespmem:s10], [sflag:$0x2] =	stream.linear.gather @!p2 [hbm4b:s9+s6], $0x80, $0x38;
	[tilespmem:$0x1E990] =	vst v63  }
0x62: {  	s10 =	simm.s32 @!p0 $0x2;
	s7 =	sadd.s32 @!p2 $0x30, s7;
	s9 =	simm.s32 @!p2 $0x180  }
0x63: {  	[tilespmem:s9], [sflag:$0x4] =	stream.linear.gather @!p2 [hbm4b:s7+s6], $0x80, $0x38;
	[tilespmem:$0x1E990] =	vst v63  }
0x64: {  	_ =	swait.ge @!p0 [sflag:s10], $0x80  }
0x65: {  	s9 =	simm.s32 @!p0 $0x4200;
	p2 =	sge.u32 s28, s8;
	[sflag:s10] =	ssyncset.done @!p0 $0x0  }
0x66: {  	s7 =	simm.s32 @!p0 $0x80;
	[sflag:s10] =	ssyncadd.s32 @!p0 $0xFFFFFF80;
	s10 =	simm.s32 @!p2 $0x5  }
0x67: {  	[tilespmem:s9], [sflag:$0x6] =	stream.indirect.gather @!p0 [hbm4b:s1+s7], $0x80, s7, s7, $0xb8;
	[tilespmem:$0x1E990] =	vst v63  }
0x68: {  	_ =	swait.ge @!p2 [sflag:s10], $0x4000  }
0x69: {  	[sflag:s10] =	ssyncset.done @!p2 $0x0  }
0x6a: {  	[sflag:s10] =	ssyncadd.s32 @!p2 $0xFFFFC000;
	s10 =	simm.s32 @!p2 $0x3  }
0x6b: {  	_ =	swait.ge @!p2 [sflag:s10], $0x80  }
0x6c: {  	s11 =	simm.s32 @!p2 $0x200;
	s12 =	simm.s32 @!p2 $0x7;
	[sflag:s10] =	ssyncset.done @!p2 $0x0  }
0x6d: {  	s13 =	simm.s32 @!p2 $0x100;
	[sflag:s10] =	ssyncadd.s32 @!p2 $0xFFFFFF80;
	s10 =	simm.s32 @!p2 $0x80  }
0x6e: {  	[spmem:s2] =	stream.indirect.scatter.add.f32 @!p2 [tilespmem:s11], [sflag:$0x7], $0x80, s13, s10, $0xb8;
	[tilespmem:$0x1E990] =	vst v63  }
0x6f: {  	_ =	swait.ge @!p2 [sflag:s12], $0x4000  }
0x70: {  	[sflag:s12] =	ssyncset.done @!p2 $0x0  }
0x71: {  	p3 =	sge.u32 @!p2 s28, s17;
	s11 =	simm.s32 @!p2 $0x1BA80;
	[sflag:s12] =	ssyncadd.s32 @!p2 $0xFFFFC000  }
0x72: {  	[spmem:s4] =	stream.indirect.scatter.add.f32 @!p2 [tilespmem:s11], [sflag:$0x7], $0x10, s13, s10, $0xb8;
	[tilespmem:$0x1E990] =	vst v63  }
0x73: {  	p3 =	por p3, p2;
	_ =	swait.ge @!p2 [sflag:s12], $0x800  }
0x74: {  	s10 =	sadd.s32 @!p3 s23, s21;
	s11 =	sadd.s32 @!p3 s23, s22;
	[sflag:s12] =	ssyncset.done @!p2 $0x0  }
0x75: {  	s10 =	sadd.s32 @!p3 $0x20, s10;
	[sflag:s12] =	ssyncadd.s32 @!p2 $0xFFFFF800;
	s12 =	simm.s32 @!p3 $0x0  }
0x76: {  	[tilespmem:s12], [sflag:$0x1] =	stream.linear.gather @!p3 [hbm4b:s10+s12], $0x80, $0x38;
	[tilespmem:$0x1E990] =	vst v63  }
0x77: {  	p2 =	sge.u32 s28, s17;
	s10 =	sadd.s32 @!p3 $0x20, s11;
	s11 =	simm.s32 @!p3 $0x100  }
0x78: {  	[tilespmem:s11], [sflag:$0x3] =	stream.linear.gather @!p3 [hbm4b:s10+s12], $0x80, $0x38;
	[tilespmem:$0x1E990] =	vst v63  }
0x79: {  	s10 =	simm.s32 @!p2 $0x1  }
0x7a: {  	_ =	swait.ge @!p2 [sflag:s10], $0x80  }
0x7b: {  	s13 =	simm.s32 @!p2 $0x0;
	s11 =	simm.s32 @!p2 $0x200;
	[sflag:s10] =	ssyncset.done @!p2 $0x0  }
0x7c: {  	s12 =	simm.s32 @!p0 $0x6;
	[sflag:s10] =	ssyncadd.s32 @!p2 $0xFFFFFF80;
	s10 =	simm.s32 @!p2 $0x80  }
0x7d: {  	[tilespmem:s11], [sflag:$0x5] =	stream.indirect.gather @!p2 [hbm4b:s1+s10], $0x80, s13, s10, $0xb8;
	[tilespmem:$0x1E990] =	vst v63  }
0x7e: {  	_ =	swait.ge @!p0 [sflag:s12], $0x4000  }
0x7f: {  	[sflag:s12] =	ssyncset.done @!p0 $0x0  }
0x80: {  	s10 =	simm.s32 @!p0 $0x4;
	[sflag:s12] =	ssyncadd.s32 @!p0 $0xFFFFC000  }
0x81: {  	_ =	swait.ge @!p0 [sflag:s10], $0x80  }
0x82: {  	[sflag:s10] =	ssyncset.done @!p0 $0x0  }
0x83: {  	s11 =	simm.s32 @!p0 $0x180;
	s12 =	simm.s32 @!p0 $0x7;
	[sflag:s10] =	ssyncadd.s32 @!p0 $0xFFFFFF80  }
0x84: {  	[spmem:s2] =	stream.indirect.scatter.add.f32 @!p0 [tilespmem:s9], [sflag:$0x7], $0x80, s11, s7, $0xb8;
	[tilespmem:$0x1E990] =	vst v63  }
0x85: {  	_ =	swait.ge @!p0 [sflag:s12], $0x4000  }
0x86: {  	s6 =	smov.u32 s30;
	[sflag:s12] =	ssyncset.done @!p0 $0x0  }
0x87: {  	s30 =	sadd.s32 $0x20, s30;
	s9 =	simm.s32 @!p0 $0x1BA80;
	[sflag:s12] =	ssyncadd.s32 @!p0 $0xFFFFC000  }
0x88: {  	[spmem:s4] =	stream.indirect.scatter.add.f32 @!p0 [tilespmem:s9], [sflag:$0x7], $0x10, s11, s7, $0xb8;
	[tilespmem:$0x1E990] =	vst v63  }
0x89: {  	p1 =	sne.s32 s30, $0x500;
	s28 =	sadd.s32 $0x2, s28;
	_ =	swait.ge @!p0 [sflag:s12], $0x800  }
.Ltmp0:
0x8a: {  	[sflag:s12] =	ssyncset.done @!p0 $0x0;
	s7 =	rddreg [dreg:$0x5];
	(pc) =	sbr.rel @p1 .LBB2_2-.Ltmp0, $4  }
0x8b: {  	s13 =	sadd.s32 $0x1, s28;
	[sflag:s12] =	ssyncadd.s32 @!p0 $0xFFFFF800;
	p2 =	sge.u32 @!p0 s25, s7  }
0x8c: {  	s25 =	smov.u32 s28;
	p2 =	por p2, p0;
	p0 =	sge.u32 s13, s8  }
0x8d: {  	s9 =	sadd.s32 @!p2 s23, s21;
	s7 =	sadd.s32 @!p2 s23, s22;
	s23 =	smov.u32 s6  }
0x8e: {  	s6 =	simm.s32 @!p2 $0x0;
	s10 =	simm.s32 @!p2 $0x80;
	s9 =	sadd.s32 @!p2 $0x30, s9  }
0x8f: {  	[tilespmem:s10], [sflag:$0x2] =	stream.linear.gather @!p2 [hbm4b:s9+s6], $0x80, $0x38;
	[tilespmem:$0x1E990] =	vst v63  }
0x90: {  	s9 =	simm.s32 @!p0 $0x2;
	s7 =	sadd.s32 @!p2 $0x30, s7;
	s10 =	simm.s32 @!p2 $0x180  }
0x91: {  	[tilespmem:s10], [sflag:$0x4] =	stream.linear.gather @!p2 [hbm4b:s7+s6], $0x80, $0x38;
	[tilespmem:$0x1E990] =	vst v63  }
0x92: {  	_ =	swait.ge @!p0 [sflag:s9], $0x80  }
0x93: {  	p1 =	sge.u32 s28, s8;
	s6 =	simm.s32 @!p0 $0x4200;
	[sflag:s9] =	ssyncset.done @!p0 $0x0  }
0x94: {  	s7 =	simm.s32 @!p0 $0x80;
	[sflag:s9] =	ssyncadd.s32 @!p0 $0xFFFFFF80;
	s9 =	simm.s32 @!p1 $0x5  }
0x95: {  	[tilespmem:s6], [sflag:$0x6] =	stream.indirect.gather @!p0 [hbm4b:s1+s7], $0x80, s7, s7, $0xb8;
	[tilespmem:$0x1E990] =	vst v63  }
0x96: {  	_ =	swait.ge @!p1 [sflag:s9], $0x4000  }
0x97: {  	[sflag:s9] =	ssyncset.done @!p1 $0x0  }
0x98: {  	[sflag:s9] =	ssyncadd.s32 @!p1 $0xFFFFC000;
	s9 =	simm.s32 @!p1 $0x3  }
0x99: {  	_ =	swait.ge @!p1 [sflag:s9], $0x80  }
0x9a: {  	s11 =	simm.s32 @!p1 $0x7;
	s12 =	simm.s32 @!p1 $0x100;
	[sflag:s9] =	ssyncset.done @!p1 $0x0  }
0x9b: {  	s10 =	simm.s32 @!p1 $0x200;
	[sflag:s9] =	ssyncadd.s32 @!p1 $0xFFFFFF80;
	s9 =	simm.s32 @!p1 $0x80  }
0x9c: {  	[spmem:s2] =	stream.indirect.scatter.add.f32 @!p1 [tilespmem:s10], [sflag:$0x7], $0x80, s12, s9, $0xb8;
	[tilespmem:$0x1E990] =	vst v63  }
0x9d: {  	_ =	swait.ge @!p1 [sflag:s11], $0x4000  }
0x9e: {  	[sflag:s11] =	ssyncset.done @!p1 $0x0  }
0x9f: {  	p2 =	sge.u32 @!p1 s28, s17;
	s10 =	simm.s32 @!p1 $0x1BA80;
	[sflag:s11] =	ssyncadd.s32 @!p1 $0xFFFFC000  }
0xa0: {  	[spmem:s4] =	stream.indirect.scatter.add.f32 @!p1 [tilespmem:s10], [sflag:$0x7], $0x10, s12, s9, $0xb8;
	[tilespmem:$0x1E990] =	vst v63  }
0xa1: {  	p2 =	por p2, p1;
	_ =	swait.ge @!p1 [sflag:s11], $0x800  }
0xa2: {  	s9 =	sadd.s32 @!p2 s23, s21;
	s10 =	sadd.s32 @!p2 s23, s22;
	[sflag:s11] =	ssyncset.done @!p1 $0x0  }
0xa3: {  	s9 =	sadd.s32 @!p2 $0x20, s9;
	[sflag:s11] =	ssyncadd.s32 @!p1 $0xFFFFF800;
	s11 =	simm.s32 @!p2 $0x0  }
0xa4: {  	[tilespmem:s11], [sflag:$0x1] =	stream.linear.gather @!p2 [hbm4b:s9+s11], $0x80, $0x38;
	[tilespmem:$0x1E990] =	vst v63  }
0xa5: {  	p1 =	sge.u32 s28, s17;
	s9 =	sadd.s32 @!p2 $0x20, s10;
	s10 =	simm.s32 @!p2 $0x100  }
0xa6: {  	[tilespmem:s10], [sflag:$0x3] =	stream.linear.gather @!p2 [hbm4b:s9+s11], $0x80, $0x38;
	[tilespmem:$0x1E990] =	vst v63  }
0xa7: {  	s9 =	simm.s32 @!p1 $0x1  }
0xa8: {  	_ =	swait.ge @!p1 [sflag:s9], $0x80  }
0xa9: {  	s12 =	simm.s32 @!p1 $0x0;
	s10 =	simm.s32 @!p1 $0x200;
	[sflag:s9] =	ssyncset.done @!p1 $0x0  }
0xaa: {  	s11 =	simm.s32 @!p0 $0x6;
	[sflag:s9] =	ssyncadd.s32 @!p1 $0xFFFFFF80;
	s9 =	simm.s32 @!p1 $0x80  }
0xab: {  	[tilespmem:s10], [sflag:$0x5] =	stream.indirect.gather @!p1 [hbm4b:s1+s9], $0x80, s12, s9, $0xb8;
	[tilespmem:$0x1E990] =	vst v63  }
0xac: {  	_ =	swait.ge @!p0 [sflag:s11], $0x4000  }
0xad: {  	[sflag:s11] =	ssyncset.done @!p0 $0x0  }
0xae: {  	s9 =	simm.s32 @!p0 $0x4;
	[sflag:s11] =	ssyncadd.s32 @!p0 $0xFFFFC000  }
0xaf: {  	_ =	swait.ge @!p0 [sflag:s9], $0x80  }
0xb0: {  	[sflag:s9] =	ssyncset.done @!p0 $0x0  }
0xb1: {  	s10 =	simm.s32 @!p0 $0x180;
	s11 =	simm.s32 @!p0 $0x7;
	[sflag:s9] =	ssyncadd.s32 @!p0 $0xFFFFFF80  }
0xb2: {  	[spmem:s2] =	stream.indirect.scatter.add.f32 @!p0 [tilespmem:s6], [sflag:$0x7], $0x80, s10, s7, $0xb8;
	[tilespmem:$0x1E990] =	vst v63  }
0xb3: {  	_ =	swait.ge @!p0 [sflag:s11], $0x4000  }
0xb4: {  	[sflag:s11] =	ssyncset.done @!p0 $0x0  }
0xb5: {  	s6 =	simm.s32 @!p0 $0x1BA80;
	[sflag:s11] =	ssyncadd.s32 @!p0 $0xFFFFC000  }
0xb6: {  	[spmem:s4] =	stream.indirect.scatter.add.f32 @!p0 [tilespmem:s6], [sflag:$0x7], $0x10, s10, s7, $0xb8;
	[tilespmem:$0x1E990] =	vst v63  }
0xb7: {  	_ =	swait.ge @!p0 [sflag:s11], $0x800  }
0xb8: {  	s6 =	rddreg [dreg:$0x5]  }
0xb9: {  	p1 =	sge.u32 @!p0 s25, s6  }
0xba: {  	[sflag:s11] =	ssyncset.done @!p0 $0x0;
	p1 =	por p1, p0  }
0xbb: {  	[sflag:s11] =	ssyncadd.s32 @!p0 $0xFFFFF800;
	s6 =	sadd.s32 @!p1 s23, s21;
	s7 =	sadd.s32 @!p1 s23, s22  }
0xbc: {  	s9 =	simm.s32 @!p1 $0x0;
	s10 =	simm.s32 @!p1 $0x80;
	s6 =	sadd.s32 @!p1 $0x30, s6  }
0xbd: {  	[tilespmem:s10], [sflag:$0x2] =	stream.linear.gather @!p1 [hbm4b:s6+s9], $0x80, $0x38;
	[tilespmem:$0x1E990] =	vst v63  }
0xbe: {  	s6 =	sadd.s32 @!p1 $0x30, s7;
	s7 =	simm.s32 @!p1 $0x180  }
0xbf: {  	[tilespmem:s7], [sflag:$0x4] =	stream.linear.gather @!p1 [hbm4b:s6+s9], $0x80, $0x38;
	[tilespmem:$0x1E990] =	vst v63  }
0xc0: {  	[bflag:$0x0] =	sbarrier.arrive $0xFFFF  }
0xc1: {  	[hbm:s18], [sflag:s14] =	dma.local [spmem:s0], $0x2710  }
0xc2: {  	s31 =	sadd.s32 $0x1, s31;
	_ =	swait.ge [sflag:s26], $0x2710  }
0xc3: {  	p0 =	sne.s32 s31, s20;
	[sflag:s26] =	ssyncset.done $0x0  }
.Ltmp1:
0xc4: {  	[sflag:s26] =	ssyncadd.s32 $0xFFFFD8F0;
	(pc) =	sbr.rel @p0 .LBB2_1-.Ltmp1, $4  }
0xc5: {  	[hbm:s19], [sflag:s14] =	dma.local [spmem:s3], $0x4E2  }
0xc6: {  	_ =	swait.ge [sflag:s26], $0x4E2  }
0xc7: {  	[sflag:s26] =	ssyncset.done $0x0  }
0xc8: {  	[sflag:s26] =	ssyncadd.s32 $0xFFFFFB1E  }
0xc9: {  	_ =	sfence.sel $0x180000  }
0xca: {  	[bflag:$0x0] =	sbarrier.arrive $0xFFFF  }
0xcb: {  	_ =	strace $0x90000047  }
0xcc: {  	s0 =	stileid.u32;
	[bflag:$0x2] =	sbarrier.arrive $0xFFFF  }
0xcd: {  	p0 =	sne.s32 s0, $0x0;
	s0 =	rddreg [dreg:$0x4]  }
0xce: {  	s0 =	sadd.s32 @!p0 $0x100000, s0  }
0xcf: {  	[sflag:s0] =	ssyncadd.tile.s32 @!p0 $0x1;
	_ =	shalt  }
.Lfunc_end2:
_tile_overlayer_lowered:
.L_overlay_start_2:
0xd0: {  	(tag) =	ssettag $0x2  }
0xd1: {  	s0 =	rddreg [dreg:$0x0];
	s2 =	stileid.u32  }
0xd2: {  	s1 =	rddreg [dreg:$0x1];
	p0 =	sne.s32 s2, $0x0  }
0xd3: {  	s3 =	rddreg [dreg:$0x2];
	[bflag:$0x3] =	sbarrier.arrive $0xFFFF;
	s2 =	simm.s32 @!p0 $0x1C07  }
0xd4: {  	[timem:s3], [sflag:s2] =	dma.local @!p0 [hbm:s0], s1  }
0xd5: {  	s0 =	simm.s32 @!p0 $0x7  }
0xd6: {  	_ =	swait.ge @!p0 [sflag:s0], s1  }
0xd7: {  	s1 =	ssub.s32 @!p0 $0x0, s1;
	[sflag:s0] =	ssyncset.done @!p0 $0x0  }
0xd8: {  	[sflag:s0] =	ssyncadd.s32 @!p0 s1  }
0xd9: {  	[bflag:$0x3] =	sbarrier.arrive $0xFFFF  }
0xda: {  	_ =	shalt  }

</sc_bundles>
